<compile_context>
chip_gen: v7x
topology: tpu7x:2x2x1
jax: 0.10.2.dev20260603
libtpu: 0.0.44.dev20260713+nightly
codegen_flags: <defaults>
</compile_context>

<pallas_src>
import functools

import jax
import jax.numpy as jnp
from jax import lax
from jax.experimental import pallas as pl
from jax.experimental.pallas import tpu as pltpu
from jax.experimental.pallas import tpu_sc as plsc

N = 4097
BR = 520
GRID = (N + BR - 1) // BR

NC, NS, L = 2, 16, 16
NW = NC * NS
ROWS_PER_W = (N - 1) // NW
CH = 8
NCHUNK = ROWS_PER_W // CH


def _zero_buf(buf):
    z16 = jnp.zeros((L,), jnp.float32)

    for r in range(CH):
        def col(j, _, r=r):
            buf[r, pl.ds(j * L, L)] = z16
            return 0

        lax.fori_loop(0, (N - 1) // L, col, 0)
        buf[r, pl.ds(N - L, L)] = z16


def _sc_alow_body(cl_hbm, cu_hbm, alow_hbm, clv, cuv, dlv, buf0, buf1):
    wid = lax.axis_index("s") * NC + lax.axis_index("c")
    base = wid * ROWS_PER_W

    _zero_buf(buf0)
    _zero_buf(buf1)

    pltpu.sync_copy(cl_hbm.at[pl.ds(base, ROWS_PER_W)], clv)
    pltpu.sync_copy(cu_hbm.at[pl.ds(base, ROWS_PER_W)], cuv)

    def dcol(j, _):
        cl = clv[pl.ds(j * L, L)]
        cu = cuv[pl.ds(j * L, L)]
        dead = cu <= 0.0
        pos = jnp.logical_and(~dead, cl >= 0.0)
        cross = jnp.logical_and(~dead, cl < 0.0)
        alpha = jnp.where(cu < -cl, jnp.float32(1e-5), jnp.float32(1.0))
        dlv[pl.ds(j * L, L)] = jnp.where(
            pos, jnp.float32(1.0), jnp.where(cross, alpha, jnp.float32(0.0))
        )
        return 0

    lax.fori_loop(0, ROWS_PER_W // L, dcol, 0)

    lane = lax.broadcasted_iota(jnp.int32, (L,), 0)
    lane8 = jnp.bitwise_and(lane, 7)
    in8 = lane < 8
    z16 = jnp.zeros((L,), jnp.float32)

    def pair(p, _):
        for b, buf in ((0, buf0), (1, buf1)):
            k = p * 2 + b
            r0 = base + k * CH
            vals = dlv[pl.ds(k * CH, L)]
            cols = r0 + lane8
            plsc.store_scatter(buf, [lane8, cols], vals, mask=in8)
            pltpu.sync_copy(buf, alow_hbm.at[pl.ds(r0, CH)])
            plsc.store_scatter(buf, [lane8, cols], z16, mask=in8)
        return 0

    lax.fori_loop(0, NCHUNK // 2, pair, 0)

    @pl.when(wid == 0)
    def _():
        one_hot = jnp.where(lane == L - 1, jnp.float32(1.0), jnp.float32(0.0))
        buf0[0, pl.ds(N - L, L)] = one_hot
        pltpu.sync_copy(buf0.at[pl.ds(0, 1)], alow_hbm.at[pl.ds(N - 1, 1)])


def _tc_body(clp_ref, cup_ref, aup_ref, ocl_ref, ocu_ref):
    i = pl.program_id(0)
    cl = clp_ref[...]
    cu = cup_ref[...]

    dead = cu <= 0.0
    pos = jnp.logical_and(~dead, cl >= 0.0)
    cross = jnp.logical_and(~dead, cl < 0.0)

    alpha = jnp.where(cu < -cl, jnp.float32(1e-5), jnp.float32(1.0))
    denom = jnp.where(cross, cu - cl, jnp.float32(1.0))
    lam = jnp.where(cross, cu / denom, jnp.float32(0.0))

    zero = jnp.float32(0.0)
    one = jnp.float32(1.0)
    diag_up = jnp.where(pos, one, jnp.where(cross, lam, zero))
    bias_up = jnp.where(cross, -lam * cl, zero)

    rows = i * BR + jax.lax.broadcasted_iota(jnp.int32, (BR, N), 0)
    cols = jax.lax.broadcasted_iota(jnp.int32, (BR, N), 1)
    on_diag = rows == cols

    @pl.when(i == GRID - 1)
    def _():
        aup_ref[...] = jnp.where(
            on_diag, diag_up, jnp.where(rows == N - 1, bias_up, zero)
        )

    @pl.when(i != GRID - 1)
    def _():
        aup_ref[...] = jnp.where(on_diag, diag_up, zero)

    @pl.when(i == 0)
    def _():
        out_cl = jnp.where(pos, cl, jnp.where(cross, alpha * cl, zero))
        out_cu = jnp.where(dead, zero, cu)
        ocl_ref[...] = out_cl[:, : N - 1]
        ocu_ref[...] = out_cu[:, : N - 1]


@functools.partial(
    pl.kernel,
    mesh=plsc.VectorSubcoreMesh(core_axis_name="c", subcore_axis_name="s"),
    out_type=jax.ShapeDtypeStruct((N, N), jnp.float32),
    scratch_types=[
        pltpu.VMEM((ROWS_PER_W,), jnp.float32),
        pltpu.VMEM((ROWS_PER_W,), jnp.float32),
        pltpu.VMEM((ROWS_PER_W + L,), jnp.float32),
        pltpu.VMEM((CH, N), jnp.float32),
        pltpu.VMEM((CH, N), jnp.float32),
    ],
    compiler_params=pltpu.CompilerParams(
        needs_layout_passes=False, use_tc_tiling_on_sc=False
    ),
)
def _sc_alow(cl_hbm, cu_hbm, alow_hbm, clv, cuv, dlv, buf0, buf1):
    _sc_alow_body(cl_hbm, cu_hbm, alow_hbm, clv, cuv, dlv, buf0, buf1)


def kernel(concrete_lower, concrete_upper, abstract_lower_in, abstract_upper_in):
    n = N - 1
    a_low = _sc_alow(concrete_lower, concrete_upper)

    pad = jnp.ones((1, 1), dtype=jnp.float32)
    clp = jnp.concatenate([concrete_lower.reshape(1, n), pad], axis=1)
    cup = jnp.concatenate([concrete_upper.reshape(1, n), pad], axis=1)

    a_up, out_cl, out_cu = pl.pallas_call(
        _tc_body,
        grid=(GRID,),
        in_specs=[
            pl.BlockSpec((1, N), lambda i: (0, 0)),
            pl.BlockSpec((1, N), lambda i: (0, 0)),
        ],
        out_specs=[
            pl.BlockSpec((BR, N), lambda i: (i, 0)),
            pl.BlockSpec((1, n), lambda i: (0, 0)),
            pl.BlockSpec((1, n), lambda i: (0, 0)),
        ],
        out_shape=[
            jax.ShapeDtypeStruct((N, N), jnp.float32),
            jax.ShapeDtypeStruct((1, n), jnp.float32),
            jax.ShapeDtypeStruct((1, n), jnp.float32),
        ],
    )(clp, cup)
    return (out_cl.reshape(n), out_cu.reshape(n), a_low, a_up)

# --- scband reference (transcript-rebuilt; emitter-appended) ---
"""Pipeline reference for scband-re-lu-47940424958601 (READ-ONLY COPY).

The authoritative reference and input builder live on the scoring server;
editing this copy changes nothing except your own understanding.
"""

import jax, jax.numpy as jnp
import numpy as np

N = 4097  # output_size_flatten (4096 neurons + 1 bias row/col)

def setup_inputs(seed: int = 0) -> dict:
    key = jax.random.key(seed)
    k1, k2 = jax.random.split(key)
    n = N - 1
    concrete_lower = jax.random.normal(k1, (n,), dtype=jnp.float32)
    # upper >= lower, with a healthy mix of dead / stable-positive / crossing neurons
    concrete_upper = concrete_lower + 2.0 * jax.random.uniform(k2, (n,), dtype=jnp.float32)
    abstract_lower_in = jnp.zeros((N, N), dtype=jnp.float32)
    abstract_upper_in = jnp.zeros((N, N), dtype=jnp.float32)
    return {
        "concrete_lower": concrete_lower,
        "concrete_upper": concrete_upper,
        "abstract_lower_in": abstract_lower_in,
        "abstract_upper_in": abstract_upper_in,
    }


def reference(concrete_lower, concrete_upper, abstract_lower_in, abstract_upper_in):
    # Faithful vectorized translation of the torch ReLU abstract-transformer
    # (non-conv path, use_alphas=False so alpha is recomputed from the heuristic).
    Nloc = abstract_lower_in.shape[1]
    n = Nloc - 1
    cl = concrete_lower
    cu = concrete_upper
    dead = cu <= 0.0                      # node skipped: rows/cols stay zero
    pos = jnp.logical_and(~dead, cl >= 0.0)   # stable positive: identity relaxation
    cross = jnp.logical_and(~dead, cl < 0.0)  # crossing: alpha lower / lambda upper

    # alpha heuristic: 1e-5 if u < -l else 1.0, clamped to [0,1]
    alpha = jnp.where(cu < -cl, jnp.float32(1e-5), jnp.float32(1.0))
    alpha = jnp.clip(alpha, 0.0, 1.0)

    denom = jnp.where(cross, cu - cl, jnp.float32(1.0))
    lam = jnp.where(cross, cu / denom, jnp.float32(0.0))

    diag_low = jnp.where(pos, jnp.float32(1.0), jnp.where(cross, alpha, jnp.float32(0.0)))
    diag_up = jnp.where(pos, jnp.float32(1.0), jnp.where(cross, lam, jnp.float32(0.0)))
    bias_up = jnp.where(cross, -lam * cl, jnp.float32(0.0))  # A_up[-1, i] = -lambda * l

    idx = jnp.arange(n)
    # scatter-overwrite the per-neuron diagonal coefficients and the bias row;
    # initial matrix is zeros with [-1, -1] = 1 (the bias-passthrough entry)
    A_low = (jnp.zeros((Nloc, Nloc), dtype=cl.dtype)
             .at[idx, idx].set(diag_low)
             .at[Nloc - 1, Nloc - 1].set(1.0))
    A_up = (jnp.zeros((Nloc, Nloc), dtype=cl.dtype)
            .at[idx, idx].set(diag_up)
            .at[Nloc - 1, idx].set(bias_up)
            .at[Nloc - 1, Nloc - 1].set(1.0))

    out_cl = jnp.where(pos, cl, jnp.where(cross, alpha * cl, jnp.float32(0.0)))
    out_cu = jnp.where(dead, jnp.float32(0.0), cu)
    return (out_cl, out_cu, A_low, A_up)

if __name__ == "__main__":
    import jax
    _d = setup_inputs()
    print(jax.jit(kernel)(*tuple(_d.values())))

</pallas_src>

<mosaic_0001>
#map = affine_map<(d0, d1) -> (0)>
#map1 = affine_map<(d0, d1) -> (0, 0)>
module attributes {stable_mosaic.version = 14 : i64} {
  func.func @_sc_alow(%arg0: i32, %arg1: i32, %arg2: memref<4096xf32, #tpu.memory_space<hbm>>, %arg3: memref<4096xf32, #tpu.memory_space<hbm>>, %arg4: memref<4097x4097xf32, #tpu.memory_space<hbm>>, %arg5: memref<128xf32, #tpu.memory_space<vmem>>, %arg6: memref<128xf32, #tpu.memory_space<vmem>>, %arg7: memref<144xf32, #tpu.memory_space<vmem>>, %arg8: memref<8x4097xf32, #tpu.memory_space<vmem>>, %arg9: memref<8x4097xf32, #tpu.memory_space<vmem>>) attributes {dimension_semantics = [#tpu.dimension_semantics<core_parallel>, #tpu.dimension_semantics<subcore_parallel>], iteration_bounds = array<i64: 2, 16>, scalar_prefetch = 0 : i64, scratch_operands = 5 : i64, tpu.core_type = #tpu.core_type<sc_vector_subcore>, window_params = [{transform_indices = #map}, {transform_indices = #map}, {transform_indices = #map1}]} {
    %mul3A = arith.constant 2 : i32
    %mul3A_0 = arith.muli %arg1, %mul3A : i32
    %add3A = arith.addi %mul3A_0, %arg0 : i32
    %mul3A_1 = arith.constant 128 : i32
    %mul3A_2 = arith.muli %add3A, %mul3A_1 : i32
    %broadcast_in_dim3A = arith.constant 0.000000e+00 : f32
    %broadcast_in_dim3A_3 = vector.broadcast %broadcast_in_dim3A : f32 to vector<16xf32>
    %scan3A = arith.constant 0 : i32
    %scan3A_4 = arith.constant 0 : i32
    %scan3A_5 = arith.constant 256 : i32
    %scan3A_6 = arith.addi %scan3A_4, %scan3A_5 : i32
    %scan3A_7 = arith.constant 1 : i32
    %scan3A_8 = scf.for %scan3A_202 = %scan3A_4 to %scan3A_6 step %scan3A_7 iter_args(%scan3A_203 = %scan3A) -> (i32)  : i32 {
      %mul3A_204 = arith.constant 16 : i32
      %mul3A_205 = arith.muli %scan3A_202, %mul3A_204 : i32
      %swap3A_206 = arith.constant 0 : i32
      %swap3A_207 = arith.index_cast %swap3A_206 : i32 to index
      %swap3A_208 = arith.index_cast %mul3A_205 : i32 to index
      %swap3A_209 = tpu.vector_load %arg8[%swap3A_207, %swap3A_208] {strides = array<i32>} : memref<8x4097xf32, #tpu.memory_space<vmem>>, vector<16xf32>,
      tpu.vector_store %arg8[%swap3A_207, %swap3A_208], %broadcast_in_dim3A_3 {strides = array<i32>} : memref<8x4097xf32, #tpu.memory_space<vmem>>, vector<16xf32>,
      %scan3A_210 = arith.constant 0 : i32
      scf.yield %scan3A_210 : i32
    }
    %scan3A_9 = arith.constant 256 : i32
    %swap3A = arith.constant 0 : i32
    %swap3A_10 = arith.index_cast %swap3A : i32 to index
    %swap3A_11 = arith.constant 4081 : index
    %swap3A_12 = tpu.vector_load %arg8[%swap3A_10, %swap3A_11] {strides = array<i32>} : memref<8x4097xf32, #tpu.memory_space<vmem>>, vector<16xf32>,
    tpu.vector_store %arg8[%swap3A_10, %swap3A_11], %broadcast_in_dim3A_3 {strides = array<i32>} : memref<8x4097xf32, #tpu.memory_space<vmem>>, vector<16xf32>,
    %scan3A_13 = arith.constant 0 : i32
    %scan3A_14 = arith.constant 0 : i32
    %scan3A_15 = arith.constant 256 : i32
    %scan3A_16 = arith.addi %scan3A_14, %scan3A_15 : i32
    %scan3A_17 = arith.constant 1 : i32
    %scan3A_18 = scf.for %scan3A_202 = %scan3A_14 to %scan3A_16 step %scan3A_17 iter_args(%scan3A_203 = %scan3A_13) -> (i32)  : i32 {
      %mul3A_204 = arith.constant 16 : i32
      %mul3A_205 = arith.muli %scan3A_202, %mul3A_204 : i32
      %swap3A_206 = arith.constant 1 : i32
      %swap3A_207 = arith.index_cast %swap3A_206 : i32 to index
      %swap3A_208 = arith.index_cast %mul3A_205 : i32 to index
      %swap3A_209 = tpu.vector_load %arg8[%swap3A_207, %swap3A_208] {strides = array<i32>} : memref<8x4097xf32, #tpu.memory_space<vmem>>, vector<16xf32>,
      tpu.vector_store %arg8[%swap3A_207, %swap3A_208], %broadcast_in_dim3A_3 {strides = array<i32>} : memref<8x4097xf32, #tpu.memory_space<vmem>>, vector<16xf32>,
      %scan3A_210 = arith.constant 0 : i32
      scf.yield %scan3A_210 : i32
    }
    %scan3A_19 = arith.constant 256 : i32
    %swap3A_20 = arith.constant 1 : i32
    %swap3A_21 = arith.index_cast %swap3A_20 : i32 to index
    %swap3A_22 = arith.constant 4081 : index
    %swap3A_23 = tpu.vector_load %arg8[%swap3A_21, %swap3A_22] {strides = array<i32>} : memref<8x4097xf32, #tpu.memory_space<vmem>>, vector<16xf32>,
    tpu.vector_store %arg8[%swap3A_21, %swap3A_22], %broadcast_in_dim3A_3 {strides = array<i32>} : memref<8x4097xf32, #tpu.memory_space<vmem>>, vector<16xf32>,
    %scan3A_24 = arith.constant 0 : i32
    %scan3A_25 = arith.constant 0 : i32
    %scan3A_26 = arith.constant 256 : i32
    %scan3A_27 = arith.addi %scan3A_25, %scan3A_26 : i32
    %scan3A_28 = arith.constant 1 : i32
    %scan3A_29 = scf.for %scan3A_202 = %scan3A_25 to %scan3A_27 step %scan3A_28 iter_args(%scan3A_203 = %scan3A_24) -> (i32)  : i32 {
      %mul3A_204 = arith.constant 16 : i32
      %mul3A_205 = arith.muli %scan3A_202, %mul3A_204 : i32
      %swap3A_206 = arith.constant 2 : i32
      %swap3A_207 = arith.index_cast %swap3A_206 : i32 to index
      %swap3A_208 = arith.index_cast %mul3A_205 : i32 to index
      %swap3A_209 = tpu.vector_load %arg8[%swap3A_207, %swap3A_208] {strides = array<i32>} : memref<8x4097xf32, #tpu.memory_space<vmem>>, vector<16xf32>,
      tpu.vector_store %arg8[%swap3A_207, %swap3A_208], %broadcast_in_dim3A_3 {strides = array<i32>} : memref<8x4097xf32, #tpu.memory_space<vmem>>, vector<16xf32>,
      %scan3A_210 = arith.constant 0 : i32
      scf.yield %scan3A_210 : i32
    }
    %scan3A_30 = arith.constant 256 : i32
    %swap3A_31 = arith.constant 2 : i32
    %swap3A_32 = arith.index_cast %swap3A_31 : i32 to index
    %swap3A_33 = arith.constant 4081 : index
    %swap3A_34 = tpu.vector_load %arg8[%swap3A_32, %swap3A_33] {strides = array<i32>} : memref<8x4097xf32, #tpu.memory_space<vmem>>, vector<16xf32>,
    tpu.vector_store %arg8[%swap3A_32, %swap3A_33], %broadcast_in_dim3A_3 {strides = array<i32>} : memref<8x4097xf32, #tpu.memory_space<vmem>>, vector<16xf32>,
    %scan3A_35 = arith.constant 0 : i32
    %scan3A_36 = arith.constant 0 : i32
    %scan3A_37 = arith.constant 256 : i32
    %scan3A_38 = arith.addi %scan3A_36, %scan3A_37 : i32
    %scan3A_39 = arith.constant 1 : i32
    %scan3A_40 = scf.for %scan3A_202 = %scan3A_36 to %scan3A_38 step %scan3A_39 iter_args(%scan3A_203 = %scan3A_35) -> (i32)  : i32 {
      %mul3A_204 = arith.constant 16 : i32
      %mul3A_205 = arith.muli %scan3A_202, %mul3A_204 : i32
      %swap3A_206 = arith.constant 3 : i32
      %swap3A_207 = arith.index_cast %swap3A_206 : i32 to index
      %swap3A_208 = arith.index_cast %mul3A_205 : i32 to index
      %swap3A_209 = tpu.vector_load %arg8[%swap3A_207, %swap3A_208] {strides = array<i32>} : memref<8x4097xf32, #tpu.memory_space<vmem>>, vector<16xf32>,
      tpu.vector_store %arg8[%swap3A_207, %swap3A_208], %broadcast_in_dim3A_3 {strides = array<i32>} : memref<8x4097xf32, #tpu.memory_space<vmem>>, vector<16xf32>,
      %scan3A_210 = arith.constant 0 : i32
      scf.yield %scan3A_210 : i32
    }
    %scan3A_41 = arith.constant 256 : i32
    %swap3A_42 = arith.constant 3 : i32
    %swap3A_43 = arith.index_cast %swap3A_42 : i32 to index
    %swap3A_44 = arith.constant 4081 : index
    %swap3A_45 = tpu.vector_load %arg8[%swap3A_43, %swap3A_44] {strides = array<i32>} : memref<8x4097xf32, #tpu.memory_space<vmem>>, vector<16xf32>,
    tpu.vector_store %arg8[%swap3A_43, %swap3A_44], %broadcast_in_dim3A_3 {strides = array<i32>} : memref<8x4097xf32, #tpu.memory_space<vmem>>, vector<16xf32>,
    %scan3A_46 = arith.constant 0 : i32
    %scan3A_47 = arith.constant 0 : i32
    %scan3A_48 = arith.constant 256 : i32
    %scan3A_49 = arith.addi %scan3A_47, %scan3A_48 : i32
    %scan3A_50 = arith.constant 1 : i32
    %scan3A_51 = scf.for %scan3A_202 = %scan3A_47 to %scan3A_49 step %scan3A_50 iter_args(%scan3A_203 = %scan3A_46) -> (i32)  : i32 {
      %mul3A_204 = arith.constant 16 : i32
      %mul3A_205 = arith.muli %scan3A_202, %mul3A_204 : i32
      %swap3A_206 = arith.constant 4 : i32
      %swap3A_207 = arith.index_cast %swap3A_206 : i32 to index
      %swap3A_208 = arith.index_cast %mul3A_205 : i32 to index
      %swap3A_209 = tpu.vector_load %arg8[%swap3A_207, %swap3A_208] {strides = array<i32>} : memref<8x4097xf32, #tpu.memory_space<vmem>>, vector<16xf32>,
      tpu.vector_store %arg8[%swap3A_207, %swap3A_208], %broadcast_in_dim3A_3 {strides = array<i32>} : memref<8x4097xf32, #tpu.memory_space<vmem>>, vector<16xf32>,
      %scan3A_210 = arith.constant 0 : i32
      scf.yield %scan3A_210 : i32
    }
    %scan3A_52 = arith.constant 256 : i32
    %swap3A_53 = arith.constant 4 : i32
    %swap3A_54 = arith.index_cast %swap3A_53 : i32 to index
    %swap3A_55 = arith.constant 4081 : index
    %swap3A_56 = tpu.vector_load %arg8[%swap3A_54, %swap3A_55] {strides = array<i32>} : memref<8x4097xf32, #tpu.memory_space<vmem>>, vector<16xf32>,
    tpu.vector_store %arg8[%swap3A_54, %swap3A_55], %broadcast_in_dim3A_3 {strides = array<i32>} : memref<8x4097xf32, #tpu.memory_space<vmem>>, vector<16xf32>,
    %scan3A_57 = arith.constant 0 : i32
    %scan3A_58 = arith.constant 0 : i32
    %scan3A_59 = arith.constant 256 : i32
    %scan3A_60 = arith.addi %scan3A_58, %scan3A_59 : i32
    %scan3A_61 = arith.constant 1 : i32
    %scan3A_62 = scf.for %scan3A_202 = %scan3A_58 to %scan3A_60 step %scan3A_61 iter_args(%scan3A_203 = %scan3A_57) -> (i32)  : i32 {
      %mul3A_204 = arith.constant 16 : i32
      %mul3A_205 = arith.muli %scan3A_202, %mul3A_204 : i32
      %swap3A_206 = arith.constant 5 : i32
      %swap3A_207 = arith.index_cast %swap3A_206 : i32 to index
      %swap3A_208 = arith.index_cast %mul3A_205 : i32 to index
      %swap3A_209 = tpu.vector_load %arg8[%swap3A_207, %swap3A_208] {strides = array<i32>} : memref<8x4097xf32, #tpu.memory_space<vmem>>, vector<16xf32>,
      tpu.vector_store %arg8[%swap3A_207, %swap3A_208], %broadcast_in_dim3A_3 {strides = array<i32>} : memref<8x4097xf32, #tpu.memory_space<vmem>>, vector<16xf32>,
      %scan3A_210 = arith.constant 0 : i32
      scf.yield %scan3A_210 : i32
    }
    %scan3A_63 = arith.constant 256 : i32
    %swap3A_64 = arith.constant 5 : i32
    %swap3A_65 = arith.index_cast %swap3A_64 : i32 to index
    %swap3A_66 = arith.constant 4081 : index
    %swap3A_67 = tpu.vector_load %arg8[%swap3A_65, %swap3A_66] {strides = array<i32>} : memref<8x4097xf32, #tpu.memory_space<vmem>>, vector<16xf32>,
    tpu.vector_store %arg8[%swap3A_65, %swap3A_66], %broadcast_in_dim3A_3 {strides = array<i32>} : memref<8x4097xf32, #tpu.memory_space<vmem>>, vector<16xf32>,
    %scan3A_68 = arith.constant 0 : i32
    %scan3A_69 = arith.constant 0 : i32
    %scan3A_70 = arith.constant 256 : i32
    %scan3A_71 = arith.addi %scan3A_69, %scan3A_70 : i32
    %scan3A_72 = arith.constant 1 : i32
    %scan3A_73 = scf.for %scan3A_202 = %scan3A_69 to %scan3A_71 step %scan3A_72 iter_args(%scan3A_203 = %scan3A_68) -> (i32)  : i32 {
      %mul3A_204 = arith.constant 16 : i32
      %mul3A_205 = arith.muli %scan3A_202, %mul3A_204 : i32
      %swap3A_206 = arith.constant 6 : i32
      %swap3A_207 = arith.index_cast %swap3A_206 : i32 to index
      %swap3A_208 = arith.index_cast %mul3A_205 : i32 to index
      %swap3A_209 = tpu.vector_load %arg8[%swap3A_207, %swap3A_208] {strides = array<i32>} : memref<8x4097xf32, #tpu.memory_space<vmem>>, vector<16xf32>,
      tpu.vector_store %arg8[%swap3A_207, %swap3A_208], %broadcast_in_dim3A_3 {strides = array<i32>} : memref<8x4097xf32, #tpu.memory_space<vmem>>, vector<16xf32>,
      %scan3A_210 = arith.constant 0 : i32
      scf.yield %scan3A_210 : i32
    }
    %scan3A_74 = arith.constant 256 : i32
    %swap3A_75 = arith.constant 6 : i32
    %swap3A_76 = arith.index_cast %swap3A_75 : i32 to index
    %swap3A_77 = arith.constant 4081 : index
    %swap3A_78 = tpu.vector_load %arg8[%swap3A_76, %swap3A_77] {strides = array<i32>} : memref<8x4097xf32, #tpu.memory_space<vmem>>, vector<16xf32>,
    tpu.vector_store %arg8[%swap3A_76, %swap3A_77], %broadcast_in_dim3A_3 {strides = array<i32>} : memref<8x4097xf32, #tpu.memory_space<vmem>>, vector<16xf32>,
    %scan3A_79 = arith.constant 0 : i32
    %scan3A_80 = arith.constant 0 : i32
    %scan3A_81 = arith.constant 256 : i32
    %scan3A_82 = arith.addi %scan3A_80, %scan3A_81 : i32
    %scan3A_83 = arith.constant 1 : i32
    %scan3A_84 = scf.for %scan3A_202 = %scan3A_80 to %scan3A_82 step %scan3A_83 iter_args(%scan3A_203 = %scan3A_79) -> (i32)  : i32 {
      %mul3A_204 = arith.constant 16 : i32
      %mul3A_205 = arith.muli %scan3A_202, %mul3A_204 : i32
      %swap3A_206 = arith.constant 7 : i32
      %swap3A_207 = arith.index_cast %swap3A_206 : i32 to index
      %swap3A_208 = arith.index_cast %mul3A_205 : i32 to index
      %swap3A_209 = tpu.vector_load %arg8[%swap3A_207, %swap3A_208] {strides = array<i32>} : memref<8x4097xf32, #tpu.memory_space<vmem>>, vector<16xf32>,
      tpu.vector_store %arg8[%swap3A_207, %swap3A_208], %broadcast_in_dim3A_3 {strides = array<i32>} : memref<8x4097xf32, #tpu.memory_space<vmem>>, vector<16xf32>,
      %scan3A_210 = arith.constant 0 : i32
      scf.yield %scan3A_210 : i32
    }
    %scan3A_85 = arith.constant 256 : i32
    %swap3A_86 = arith.constant 7 : i32
    %swap3A_87 = arith.index_cast %swap3A_86 : i32 to index
    %swap3A_88 = arith.constant 4081 : index
    %swap3A_89 = tpu.vector_load %arg8[%swap3A_87, %swap3A_88] {strides = array<i32>} : memref<8x4097xf32, #tpu.memory_space<vmem>>, vector<16xf32>,
    tpu.vector_store %arg8[%swap3A_87, %swap3A_88], %broadcast_in_dim3A_3 {strides = array<i32>} : memref<8x4097xf32, #tpu.memory_space<vmem>>, vector<16xf32>,
    %broadcast_in_dim3A_90 = arith.constant 0.000000e+00 : f32
    %broadcast_in_dim3A_91 = vector.broadcast %broadcast_in_dim3A_90 : f32 to vector<16xf32>
    %scan3A_92 = arith.constant 0 : i32
    %scan3A_93 = arith.constant 0 : i32
    %scan3A_94 = arith.constant 256 : i32
    %scan3A_95 = arith.addi %scan3A_93, %scan3A_94 : i32
    %scan3A_96 = arith.constant 1 : i32
    %scan3A_97 = scf.for %scan3A_202 = %scan3A_93 to %scan3A_95 step %scan3A_96 iter_args(%scan3A_203 = %scan3A_92) -> (i32)  : i32 {
      %mul3A_204 = arith.constant 16 : i32
      %mul3A_205 = arith.muli %scan3A_202, %mul3A_204 : i32
      %swap3A_206 = arith.constant 0 : i32
      %swap3A_207 = arith.index_cast %swap3A_206 : i32 to index
      %swap3A_208 = arith.index_cast %mul3A_205 : i32 to index
      %swap3A_209 = tpu.vector_load %arg9[%swap3A_207, %swap3A_208] {strides = array<i32>} : memref<8x4097xf32, #tpu.memory_space<vmem>>, vector<16xf32>,
      tpu.vector_store %arg9[%swap3A_207, %swap3A_208], %broadcast_in_dim3A_91 {strides = array<i32>} : memref<8x4097xf32, #tpu.memory_space<vmem>>, vector<16xf32>,
      %scan3A_210 = arith.constant 0 : i32
      scf.yield %scan3A_210 : i32
    }
    %scan3A_98 = arith.constant 256 : i32
    %swap3A_99 = arith.constant 0 : i32
    %swap3A_100 = arith.index_cast %swap3A_99 : i32 to index
    %swap3A_101 = arith.constant 4081 : index
    %swap3A_102 = tpu.vector_load %arg9[%swap3A_100, %swap3A_101] {strides = array<i32>} : memref<8x4097xf32, #tpu.memory_space<vmem>>, vector<16xf32>,
    tpu.vector_store %arg9[%swap3A_100, %swap3A_101], %broadcast_in_dim3A_91 {strides = array<i32>} : memref<8x4097xf32, #tpu.memory_space<vmem>>, vector<16xf32>,
    %scan3A_103 = arith.constant 0 : i32
    %scan3A_104 = arith.constant 0 : i32
    %scan3A_105 = arith.constant 256 : i32
    %scan3A_106 = arith.addi %scan3A_104, %scan3A_105 : i32
    %scan3A_107 = arith.constant 1 : i32
    %scan3A_108 = scf.for %scan3A_202 = %scan3A_104 to %scan3A_106 step %scan3A_107 iter_args(%scan3A_203 = %scan3A_103) -> (i32)  : i32 {
      %mul3A_204 = arith.constant 16 : i32
      %mul3A_205 = arith.muli %scan3A_202, %mul3A_204 : i32
      %swap3A_206 = arith.constant 1 : i32
      %swap3A_207 = arith.index_cast %swap3A_206 : i32 to index
      %swap3A_208 = arith.index_cast %mul3A_205 : i32 to index
      %swap3A_209 = tpu.vector_load %arg9[%swap3A_207, %swap3A_208] {strides = array<i32>} : memref<8x4097xf32, #tpu.memory_space<vmem>>, vector<16xf32>,
      tpu.vector_store %arg9[%swap3A_207, %swap3A_208], %broadcast_in_dim3A_91 {strides = array<i32>} : memref<8x4097xf32, #tpu.memory_space<vmem>>, vector<16xf32>,
      %scan3A_210 = arith.constant 0 : i32
      scf.yield %scan3A_210 : i32
    }
    %scan3A_109 = arith.constant 256 : i32
    %swap3A_110 = arith.constant 1 : i32
    %swap3A_111 = arith.index_cast %swap3A_110 : i32 to index
    %swap3A_112 = arith.constant 4081 : index
    %swap3A_113 = tpu.vector_load %arg9[%swap3A_111, %swap3A_112] {strides = array<i32>} : memref<8x4097xf32, #tpu.memory_space<vmem>>, vector<16xf32>,
    tpu.vector_store %arg9[%swap3A_111, %swap3A_112], %broadcast_in_dim3A_91 {strides = array<i32>} : memref<8x4097xf32, #tpu.memory_space<vmem>>, vector<16xf32>,
    %scan3A_114 = arith.constant 0 : i32
    %scan3A_115 = arith.constant 0 : i32
    %scan3A_116 = arith.constant 256 : i32
    %scan3A_117 = arith.addi %scan3A_115, %scan3A_116 : i32
    %scan3A_118 = arith.constant 1 : i32
    %scan3A_119 = scf.for %scan3A_202 = %scan3A_115 to %scan3A_117 step %scan3A_118 iter_args(%scan3A_203 = %scan3A_114) -> (i32)  : i32 {
      %mul3A_204 = arith.constant 16 : i32
      %mul3A_205 = arith.muli %scan3A_202, %mul3A_204 : i32
      %swap3A_206 = arith.constant 2 : i32
      %swap3A_207 = arith.index_cast %swap3A_206 : i32 to index
      %swap3A_208 = arith.index_cast %mul3A_205 : i32 to index
      %swap3A_209 = tpu.vector_load %arg9[%swap3A_207, %swap3A_208] {strides = array<i32>} : memref<8x4097xf32, #tpu.memory_space<vmem>>, vector<16xf32>,
      tpu.vector_store %arg9[%swap3A_207, %swap3A_208], %broadcast_in_dim3A_91 {strides = array<i32>} : memref<8x4097xf32, #tpu.memory_space<vmem>>, vector<16xf32>,
      %scan3A_210 = arith.constant 0 : i32
      scf.yield %scan3A_210 : i32
    }
    %scan3A_120 = arith.constant 256 : i32
    %swap3A_121 = arith.constant 2 : i32
    %swap3A_122 = arith.index_cast %swap3A_121 : i32 to index
    %swap3A_123 = arith.constant 4081 : index
    %swap3A_124 = tpu.vector_load %arg9[%swap3A_122, %swap3A_123] {strides = array<i32>} : memref<8x4097xf32, #tpu.memory_space<vmem>>, vector<16xf32>,
    tpu.vector_store %arg9[%swap3A_122, %swap3A_123], %broadcast_in_dim3A_91 {strides = array<i32>} : memref<8x4097xf32, #tpu.memory_space<vmem>>, vector<16xf32>,
    %scan3A_125 = arith.constant 0 : i32
    %scan3A_126 = arith.constant 0 : i32
    %scan3A_127 = arith.constant 256 : i32
    %scan3A_128 = arith.addi %scan3A_126, %scan3A_127 : i32
    %scan3A_129 = arith.constant 1 : i32
    %scan3A_130 = scf.for %scan3A_202 = %scan3A_126 to %scan3A_128 step %scan3A_129 iter_args(%scan3A_203 = %scan3A_125) -> (i32)  : i32 {
      %mul3A_204 = arith.constant 16 : i32
      %mul3A_205 = arith.muli %scan3A_202, %mul3A_204 : i32
      %swap3A_206 = arith.constant 3 : i32
      %swap3A_207 = arith.index_cast %swap3A_206 : i32 to index
      %swap3A_208 = arith.index_cast %mul3A_205 : i32 to index
      %swap3A_209 = tpu.vector_load %arg9[%swap3A_207, %swap3A_208] {strides = array<i32>} : memref<8x4097xf32, #tpu.memory_space<vmem>>, vector<16xf32>,
      tpu.vector_store %arg9[%swap3A_207, %swap3A_208], %broadcast_in_dim3A_91 {strides = array<i32>} : memref<8x4097xf32, #tpu.memory_space<vmem>>, vector<16xf32>,
      %scan3A_210 = arith.constant 0 : i32
      scf.yield %scan3A_210 : i32
    }
    %scan3A_131 = arith.constant 256 : i32
    %swap3A_132 = arith.constant 3 : i32
    %swap3A_133 = arith.index_cast %swap3A_132 : i32 to index
    %swap3A_134 = arith.constant 4081 : index
    %swap3A_135 = tpu.vector_load %arg9[%swap3A_133, %swap3A_134] {strides = array<i32>} : memref<8x4097xf32, #tpu.memory_space<vmem>>, vector<16xf32>,
    tpu.vector_store %arg9[%swap3A_133, %swap3A_134], %broadcast_in_dim3A_91 {strides = array<i32>} : memref<8x4097xf32, #tpu.memory_space<vmem>>, vector<16xf32>,
    %scan3A_136 = arith.constant 0 : i32
    %scan3A_137 = arith.constant 0 : i32
    %scan3A_138 = arith.constant 256 : i32
    %scan3A_139 = arith.addi %scan3A_137, %scan3A_138 : i32
    %scan3A_140 = arith.constant 1 : i32
    %scan3A_141 = scf.for %scan3A_202 = %scan3A_137 to %scan3A_139 step %scan3A_140 iter_args(%scan3A_203 = %scan3A_136) -> (i32)  : i32 {
      %mul3A_204 = arith.constant 16 : i32
      %mul3A_205 = arith.muli %scan3A_202, %mul3A_204 : i32
      %swap3A_206 = arith.constant 4 : i32
      %swap3A_207 = arith.index_cast %swap3A_206 : i32 to index
      %swap3A_208 = arith.index_cast %mul3A_205 : i32 to index
      %swap3A_209 = tpu.vector_load %arg9[%swap3A_207, %swap3A_208] {strides = array<i32>} : memref<8x4097xf32, #tpu.memory_space<vmem>>, vector<16xf32>,
      tpu.vector_store %arg9[%swap3A_207, %swap3A_208], %broadcast_in_dim3A_91 {strides = array<i32>} : memref<8x4097xf32, #tpu.memory_space<vmem>>, vector<16xf32>,
      %scan3A_210 = arith.constant 0 : i32
      scf.yield %scan3A_210 : i32
    }
    %scan3A_142 = arith.constant 256 : i32
    %swap3A_143 = arith.constant 4 : i32
    %swap3A_144 = arith.index_cast %swap3A_143 : i32 to index
    %swap3A_145 = arith.constant 4081 : index
    %swap3A_146 = tpu.vector_load %arg9[%swap3A_144, %swap3A_145] {strides = array<i32>} : memref<8x4097xf32, #tpu.memory_space<vmem>>, vector<16xf32>,
    tpu.vector_store %arg9[%swap3A_144, %swap3A_145], %broadcast_in_dim3A_91 {strides = array<i32>} : memref<8x4097xf32, #tpu.memory_space<vmem>>, vector<16xf32>,
    %scan3A_147 = arith.constant 0 : i32
    %scan3A_148 = arith.constant 0 : i32
    %scan3A_149 = arith.constant 256 : i32
    %scan3A_150 = arith.addi %scan3A_148, %scan3A_149 : i32
    %scan3A_151 = arith.constant 1 : i32
    %scan3A_152 = scf.for %scan3A_202 = %scan3A_148 to %scan3A_150 step %scan3A_151 iter_args(%scan3A_203 = %scan3A_147) -> (i32)  : i32 {
      %mul3A_204 = arith.constant 16 : i32
      %mul3A_205 = arith.muli %scan3A_202, %mul3A_204 : i32
      %swap3A_206 = arith.constant 5 : i32
      %swap3A_207 = arith.index_cast %swap3A_206 : i32 to index
      %swap3A_208 = arith.index_cast %mul3A_205 : i32 to index
      %swap3A_209 = tpu.vector_load %arg9[%swap3A_207, %swap3A_208] {strides = array<i32>} : memref<8x4097xf32, #tpu.memory_space<vmem>>, vector<16xf32>,
      tpu.vector_store %arg9[%swap3A_207, %swap3A_208], %broadcast_in_dim3A_91 {strides = array<i32>} : memref<8x4097xf32, #tpu.memory_space<vmem>>, vector<16xf32>,
      %scan3A_210 = arith.constant 0 : i32
      scf.yield %scan3A_210 : i32
    }
    %scan3A_153 = arith.constant 256 : i32
    %swap3A_154 = arith.constant 5 : i32
    %swap3A_155 = arith.index_cast %swap3A_154 : i32 to index
    %swap3A_156 = arith.constant 4081 : index
    %swap3A_157 = tpu.vector_load %arg9[%swap3A_155, %swap3A_156] {strides = array<i32>} : memref<8x4097xf32, #tpu.memory_space<vmem>>, vector<16xf32>,
    tpu.vector_store %arg9[%swap3A_155, %swap3A_156], %broadcast_in_dim3A_91 {strides = array<i32>} : memref<8x4097xf32, #tpu.memory_space<vmem>>, vector<16xf32>,
    %scan3A_158 = arith.constant 0 : i32
    %scan3A_159 = arith.constant 0 : i32
    %scan3A_160 = arith.constant 256 : i32
    %scan3A_161 = arith.addi %scan3A_159, %scan3A_160 : i32
    %scan3A_162 = arith.constant 1 : i32
    %scan3A_163 = scf.for %scan3A_202 = %scan3A_159 to %scan3A_161 step %scan3A_162 iter_args(%scan3A_203 = %scan3A_158) -> (i32)  : i32 {
      %mul3A_204 = arith.constant 16 : i32
      %mul3A_205 = arith.muli %scan3A_202, %mul3A_204 : i32
      %swap3A_206 = arith.constant 6 : i32
      %swap3A_207 = arith.index_cast %swap3A_206 : i32 to index
      %swap3A_208 = arith.index_cast %mul3A_205 : i32 to index
      %swap3A_209 = tpu.vector_load %arg9[%swap3A_207, %swap3A_208] {strides = array<i32>} : memref<8x4097xf32, #tpu.memory_space<vmem>>, vector<16xf32>,
      tpu.vector_store %arg9[%swap3A_207, %swap3A_208], %broadcast_in_dim3A_91 {strides = array<i32>} : memref<8x4097xf32, #tpu.memory_space<vmem>>, vector<16xf32>,
      %scan3A_210 = arith.constant 0 : i32
      scf.yield %scan3A_210 : i32
    }
    %scan3A_164 = arith.constant 256 : i32
    %swap3A_165 = arith.constant 6 : i32
    %swap3A_166 = arith.index_cast %swap3A_165 : i32 to index
    %swap3A_167 = arith.constant 4081 : index
    %swap3A_168 = tpu.vector_load %arg9[%swap3A_166, %swap3A_167] {strides = array<i32>} : memref<8x4097xf32, #tpu.memory_space<vmem>>, vector<16xf32>,
    tpu.vector_store %arg9[%swap3A_166, %swap3A_167], %broadcast_in_dim3A_91 {strides = array<i32>} : memref<8x4097xf32, #tpu.memory_space<vmem>>, vector<16xf32>,
    %scan3A_169 = arith.constant 0 : i32
    %scan3A_170 = arith.constant 0 : i32
    %scan3A_171 = arith.constant 256 : i32
    %scan3A_172 = arith.addi %scan3A_170, %scan3A_171 : i32
    %scan3A_173 = arith.constant 1 : i32
    %scan3A_174 = scf.for %scan3A_202 = %scan3A_170 to %scan3A_172 step %scan3A_173 iter_args(%scan3A_203 = %scan3A_169) -> (i32)  : i32 {
      %mul3A_204 = arith.constant 16 : i32
      %mul3A_205 = arith.muli %scan3A_202, %mul3A_204 : i32
      %swap3A_206 = arith.constant 7 : i32
      %swap3A_207 = arith.index_cast %swap3A_206 : i32 to index
      %swap3A_208 = arith.index_cast %mul3A_205 : i32 to index
      %swap3A_209 = tpu.vector_load %arg9[%swap3A_207, %swap3A_208] {strides = array<i32>} : memref<8x4097xf32, #tpu.memory_space<vmem>>, vector<16xf32>,
      tpu.vector_store %arg9[%swap3A_207, %swap3A_208], %broadcast_in_dim3A_91 {strides = array<i32>} : memref<8x4097xf32, #tpu.memory_space<vmem>>, vector<16xf32>,
      %scan3A_210 = arith.constant 0 : i32
      scf.yield %scan3A_210 : i32
    }
    %scan3A_175 = arith.constant 256 : i32
    %swap3A_176 = arith.constant 7 : i32
    %swap3A_177 = arith.index_cast %swap3A_176 : i32 to index
    %swap3A_178 = arith.constant 4081 : index
    %swap3A_179 = tpu.vector_load %arg9[%swap3A_177, %swap3A_178] {strides = array<i32>} : memref<8x4097xf32, #tpu.memory_space<vmem>>, vector<16xf32>,
    tpu.vector_store %arg9[%swap3A_177, %swap3A_178], %broadcast_in_dim3A_91 {strides = array<i32>} : memref<8x4097xf32, #tpu.memory_space<vmem>>, vector<16xf32>,
    "tpu.region"() ({
      %run_scoped3A = tpu.sem_alloc : memref<!tpu.dma_semaphore, #tpu.memory_space<semaphore_mem>>
      %dma_start3A = tpu.memref_slice %arg2[%mul3A_2] : memref<4096xf32, #tpu.memory_space<hbm>> -> memref<128xf32, #tpu.memory_space<hbm>>
      %dma_start3A_202 = tpu.memref_slice %arg2[%mul3A_2] : memref<4096xf32, #tpu.memory_space<hbm>> -> memref<128xf32, #tpu.memory_space<hbm>>
      tpu.enqueue_dma source(%dma_start3A_202 : memref<128xf32, #tpu.memory_space<hbm>>) target(%arg5 : memref<128xf32, #tpu.memory_space<vmem>>) target_semaphore(%run_scoped3A : memref<!tpu.dma_semaphore, #tpu.memory_space<semaphore_mem>>)
      %dma_wait3A = tpu.memref_slice %arg2[%mul3A_2] : memref<4096xf32, #tpu.memory_space<hbm>> -> memref<128xf32, #tpu.memory_space<hbm>>
      %dma_wait3A_203 = tpu.memref_slice %arg2[%mul3A_2] : memref<4096xf32, #tpu.memory_space<hbm>> -> memref<128xf32, #tpu.memory_space<hbm>>
      tpu.wait_dma2 semaphore(%run_scoped3A : memref<!tpu.dma_semaphore, #tpu.memory_space<semaphore_mem>>) src(%dma_wait3A_203 : memref<128xf32, #tpu.memory_space<hbm>>) dst(%arg5 : memref<128xf32, #tpu.memory_space<vmem>>)
      tpu.yield
    }) : () -> ()
    "tpu.region"() ({
      %run_scoped3A = tpu.sem_alloc : memref<!tpu.dma_semaphore, #tpu.memory_space<semaphore_mem>>
      %dma_start3A = tpu.memref_slice %arg3[%mul3A_2] : memref<4096xf32, #tpu.memory_space<hbm>> -> memref<128xf32, #tpu.memory_space<hbm>>
      %dma_start3A_202 = tpu.memref_slice %arg3[%mul3A_2] : memref<4096xf32, #tpu.memory_space<hbm>> -> memref<128xf32, #tpu.memory_space<hbm>>
      tpu.enqueue_dma source(%dma_start3A_202 : memref<128xf32, #tpu.memory_space<hbm>>) target(%arg6 : memref<128xf32, #tpu.memory_space<vmem>>) target_semaphore(%run_scoped3A : memref<!tpu.dma_semaphore, #tpu.memory_space<semaphore_mem>>)
      %dma_wait3A = tpu.memref_slice %arg3[%mul3A_2] : memref<4096xf32, #tpu.memory_space<hbm>> -> memref<128xf32, #tpu.memory_space<hbm>>
      %dma_wait3A_203 = tpu.memref_slice %arg3[%mul3A_2] : memref<4096xf32, #tpu.memory_space<hbm>> -> memref<128xf32, #tpu.memory_space<hbm>>
      tpu.wait_dma2 semaphore(%run_scoped3A : memref<!tpu.dma_semaphore, #tpu.memory_space<semaphore_mem>>) src(%dma_wait3A_203 : memref<128xf32, #tpu.memory_space<hbm>>) dst(%arg6 : memref<128xf32, #tpu.memory_space<vmem>>)
      tpu.yield
    }) : () -> ()
    %scan3A_180 = arith.constant 0 : i32
    %scan3A_181 = arith.constant 0 : i32
    %scan3A_182 = arith.constant 8 : i32
    %scan3A_183 = arith.addi %scan3A_181, %scan3A_182 : i32
    %scan3A_184 = arith.constant 1 : i32
    %scan3A_185 = scf.for %scan3A_202 = %scan3A_181 to %scan3A_183 step %scan3A_184 iter_args(%scan3A_203 = %scan3A_180) -> (i32)  : i32 {
      %mul3A_204 = arith.constant 16 : i32
      %mul3A_205 = arith.muli %scan3A_202, %mul3A_204 : i32
      %get3A = arith.index_cast %mul3A_205 : i32 to index
      %get3A_206 = tpu.vector_load %arg5[%get3A] {strides = array<i32>} : memref<128xf32, #tpu.memory_space<vmem>>, vector<16xf32>,
      %mul3A_207 = arith.constant 16 : i32
      %mul3A_208 = arith.muli %scan3A_202, %mul3A_207 : i32
      %get3A_209 = arith.index_cast %mul3A_208 : i32 to index
      %get3A_210 = tpu.vector_load %arg6[%get3A_209] {strides = array<i32>} : memref<128xf32, #tpu.memory_space<vmem>>, vector<16xf32>,
      %le3A = arith.constant 0.000000e+00 : f32
      %le3A_211 = vector.broadcast %le3A : f32 to vector<16xf32>
      %le3A_212 = arith.cmpf ole, %get3A_210, %le3A_211 : vector<16xf32>
      %not3A = arith.constant dense<true> : vector<16xi1>
      %not3A_213 = arith.xori %le3A_212, %not3A : vector<16xi1>
      %ge3A = arith.constant 0.000000e+00 : f32
      %ge3A_214 = vector.broadcast %ge3A : f32 to vector<16xf32>
      %ge3A_215 = arith.cmpf oge, %get3A_206, %ge3A_214 : vector<16xf32>
      %and3A_216 = arith.andi %not3A_213, %ge3A_215 : vector<16xi1>
      %not3A_217 = arith.constant dense<true> : vector<16xi1>
      %not3A_218 = arith.xori %le3A_212, %not3A_217 : vector<16xi1>
      %lt3A_219 = arith.constant 0.000000e+00 : f32
      %lt3A_220 = vector.broadcast %lt3A_219 : f32 to vector<16xf32>
      %lt3A_221 = arith.cmpf olt, %get3A_206, %lt3A_220 : vector<16xf32>
      %and3A_222 = arith.andi %not3A_218, %lt3A_221 : vector<16xi1>
      %neg3A = arith.constant 0.000000e+00 : f32
      %neg3A_223 = vector.broadcast %neg3A : f32 to vector<16xf32>
      %neg3A_224 = arith.subf %neg3A_223, %get3A_206 : vector<16xf32>
      %lt3A_225 = arith.cmpf olt, %get3A_210, %neg3A_224 : vector<16xf32>
      %jit3A = arith.constant 9.99999974E-6 : f32
      %jit3A_226 = arith.constant 1.000000e+00 : f32
      %broadcast_in_dim3A_227 = vector.broadcast %jit3A : f32 to vector<16xf32>
      %broadcast_in_dim3A_228 = vector.broadcast %jit3A_226 : f32 to vector<16xf32>
      %select_n3A = arith.select %lt3A_225, %broadcast_in_dim3A_227, %broadcast_in_dim3A_228 : vector<16xi1>, vector<16xf32>
      %jit3A_229 = arith.constant 0.000000e+00 : f32
      %broadcast_in_dim3A_230 = vector.broadcast %jit3A_229 : f32 to vector<16xf32>
      %select_n3A_231 = arith.select %and3A_222, %select_n3A, %broadcast_in_dim3A_230 : vector<16xi1>, vector<16xf32>
      %jit3A_232 = arith.constant 1.000000e+00 : f32
      %broadcast_in_dim3A_233 = vector.broadcast %jit3A_232 : f32 to vector<16xf32>
      %select_n3A_234 = arith.select %and3A_216, %broadcast_in_dim3A_233, %select_n3A_231 : vector<16xi1>, vector<16xf32>
      %mul3A_235 = arith.constant 16 : i32
      %mul3A_236 = arith.muli %scan3A_202, %mul3A_235 : i32
      %swap3A_237 = arith.index_cast %mul3A_236 : i32 to index
      %swap3A_238 = tpu.vector_load %arg7[%swap3A_237] {strides = array<i32>} : memref<144xf32, #tpu.memory_space<vmem>>, vector<16xf32>,
      tpu.vector_store %arg7[%swap3A_237], %select_n3A_234 {strides = array<i32>} : memref<144xf32, #tpu.memory_space<vmem>>, vector<16xf32>,
      %scan3A_239 = arith.constant 0 : i32
      scf.yield %scan3A_239 : i32
    }
    %scan3A_186 = arith.constant 8 : i32
    %iota3A = tpu.iota {dimensions = array<i32: 0>} : vector<16xi32>
    %and3A = arith.constant 7 : i32
    %and3A_187 = vector.broadcast %and3A : i32 to vector<16xi32>
    %and3A_188 = arith.andi %iota3A, %and3A_187 : vector<16xi32>
    %lt3A = arith.constant 8 : i32
    %lt3A_189 = vector.broadcast %lt3A : i32 to vector<16xi32>
    %lt3A_190 = arith.cmpi slt, %iota3A, %lt3A_189 : vector<16xi32>
    %broadcast_in_dim3A_191 = arith.constant 0.000000e+00 : f32
    %broadcast_in_dim3A_192 = vector.broadcast %broadcast_in_dim3A_191 : f32 to vector<16xf32>
    %scan3A_193 = arith.constant 0 : i32
    %scan3A_194 = arith.constant 0 : i32
    %scan3A_195 = arith.constant 8 : i32
    %scan3A_196 = arith.addi %scan3A_194, %scan3A_195 : i32
    %scan3A_197 = arith.constant 1 : i32
    %scan3A_198 = scf.for %scan3A_202 = %scan3A_194 to %scan3A_196 step %scan3A_197 iter_args(%scan3A_203 = %scan3A_193) -> (i32)  : i32 {
      %mul3A_204 = arith.constant 2 : i32
      %mul3A_205 = arith.muli %scan3A_202, %mul3A_204 : i32
      %add3A_206 = arith.constant 0 : i32
      %add3A_207 = arith.addi %mul3A_205, %add3A_206 : i32
      %mul3A_208 = arith.constant 8 : i32
      %mul3A_209 = arith.muli %add3A_207, %mul3A_208 : i32
      %add3A_210 = arith.addi %mul3A_2, %mul3A_209 : i32
      %mul3A_211 = arith.constant 8 : i32
      %mul3A_212 = arith.muli %add3A_207, %mul3A_211 : i32
      %get3A = arith.index_cast %mul3A_212 : i32 to index
      %get3A_213 = tpu.vector_load %arg7[%get3A] {strides = array<i32>} : memref<144xf32, #tpu.memory_space<vmem>>, vector<16xf32>,
      %add3A_214 = vector.broadcast %add3A_210 : i32 to vector<16xi32>
      %add3A_215 = arith.addi %add3A_214, %and3A_188 : vector<16xi32>
      tpu.vector_store_idx %arg8[%and3A_188, %add3A_215], %get3A_213 masked %lt3A_190 : memref<8x4097xf32, #tpu.memory_space<vmem>>[vector<16xi32>, vector<16xi32>], vector<16xf32>, vector<16xi1>
      "tpu.region"() ({
        %run_scoped3A = tpu.sem_alloc : memref<!tpu.dma_semaphore, #tpu.memory_space<semaphore_mem>>
        %dma_start3A = arith.constant 0 : i32
        %dma_start3A_230 = tpu.memref_slice %arg4[%add3A_210, %dma_start3A] : memref<4097x4097xf32, #tpu.memory_space<hbm>> -> memref<8x4097xf32, #tpu.memory_space<hbm>>
        %dma_start3A_231 = arith.constant 0 : i32
        %dma_start3A_232 = tpu.memref_slice %arg4[%add3A_210, %dma_start3A_231] : memref<4097x4097xf32, #tpu.memory_space<hbm>> -> memref<8x4097xf32, #tpu.memory_space<hbm>>
        tpu.enqueue_dma source(%arg8 : memref<8x4097xf32, #tpu.memory_space<vmem>>) target(%dma_start3A_232 : memref<8x4097xf32, #tpu.memory_space<hbm>>) target_semaphore(%run_scoped3A : memref<!tpu.dma_semaphore, #tpu.memory_space<semaphore_mem>>)
        %dma_wait3A = arith.constant 0 : i32
        %dma_wait3A_233 = tpu.memref_slice %arg4[%add3A_210, %dma_wait3A] : memref<4097x4097xf32, #tpu.memory_space<hbm>> -> memref<8x4097xf32, #tpu.memory_space<hbm>>
        %dma_wait3A_234 = arith.constant 0 : i32
        %dma_wait3A_235 = tpu.memref_slice %arg4[%add3A_210, %dma_wait3A_234] : memref<4097x4097xf32, #tpu.memory_space<hbm>> -> memref<8x4097xf32, #tpu.memory_space<hbm>>
        tpu.wait_dma2 semaphore(%run_scoped3A : memref<!tpu.dma_semaphore, #tpu.memory_space<semaphore_mem>>) src(%arg8 : memref<8x4097xf32, #tpu.memory_space<vmem>>) dst(%dma_wait3A_235 : memref<8x4097xf32, #tpu.memory_space<hbm>>)
        tpu.yield
      }) : () -> ()
      tpu.vector_store_idx %arg8[%and3A_188, %add3A_215], %broadcast_in_dim3A_192 masked %lt3A_190 : memref<8x4097xf32, #tpu.memory_space<vmem>>[vector<16xi32>, vector<16xi32>], vector<16xf32>, vector<16xi1>
      %mul3A_216 = arith.constant 2 : i32
      %mul3A_217 = arith.muli %scan3A_202, %mul3A_216 : i32
      %add3A_218 = arith.constant 1 : i32
      %add3A_219 = arith.addi %mul3A_217, %add3A_218 : i32
      %mul3A_220 = arith.constant 8 : i32
      %mul3A_221 = arith.muli %add3A_219, %mul3A_220 : i32
      %add3A_222 = arith.addi %mul3A_2, %mul3A_221 : i32
      %mul3A_223 = arith.constant 8 : i32
      %mul3A_224 = arith.muli %add3A_219, %mul3A_223 : i32
      %get3A_225 = arith.index_cast %mul3A_224 : i32 to index
      %get3A_226 = tpu.vector_load %arg7[%get3A_225] {strides = array<i32>} : memref<144xf32, #tpu.memory_space<vmem>>, vector<16xf32>,
      %add3A_227 = vector.broadcast %add3A_222 : i32 to vector<16xi32>
      %add3A_228 = arith.addi %add3A_227, %and3A_188 : vector<16xi32>
      tpu.vector_store_idx %arg9[%and3A_188, %add3A_228], %get3A_226 masked %lt3A_190 : memref<8x4097xf32, #tpu.memory_space<vmem>>[vector<16xi32>, vector<16xi32>], vector<16xf32>, vector<16xi1>
      "tpu.region"() ({
        %run_scoped3A = tpu.sem_alloc : memref<!tpu.dma_semaphore, #tpu.memory_space<semaphore_mem>>
        %dma_start3A = arith.constant 0 : i32
        %dma_start3A_230 = tpu.memref_slice %arg4[%add3A_222, %dma_start3A] : memref<4097x4097xf32, #tpu.memory_space<hbm>> -> memref<8x4097xf32, #tpu.memory_space<hbm>>
        %dma_start3A_231 = arith.constant 0 : i32
        %dma_start3A_232 = tpu.memref_slice %arg4[%add3A_222, %dma_start3A_231] : memref<4097x4097xf32, #tpu.memory_space<hbm>> -> memref<8x4097xf32, #tpu.memory_space<hbm>>
        tpu.enqueue_dma source(%arg9 : memref<8x4097xf32, #tpu.memory_space<vmem>>) target(%dma_start3A_232 : memref<8x4097xf32, #tpu.memory_space<hbm>>) target_semaphore(%run_scoped3A : memref<!tpu.dma_semaphore, #tpu.memory_space<semaphore_mem>>)
        %dma_wait3A = arith.constant 0 : i32
        %dma_wait3A_233 = tpu.memref_slice %arg4[%add3A_222, %dma_wait3A] : memref<4097x4097xf32, #tpu.memory_space<hbm>> -> memref<8x4097xf32, #tpu.memory_space<hbm>>
        %dma_wait3A_234 = arith.constant 0 : i32
        %dma_wait3A_235 = tpu.memref_slice %arg4[%add3A_222, %dma_wait3A_234] : memref<4097x4097xf32, #tpu.memory_space<hbm>> -> memref<8x4097xf32, #tpu.memory_space<hbm>>
        tpu.wait_dma2 semaphore(%run_scoped3A : memref<!tpu.dma_semaphore, #tpu.memory_space<semaphore_mem>>) src(%arg9 : memref<8x4097xf32, #tpu.memory_space<vmem>>) dst(%dma_wait3A_235 : memref<8x4097xf32, #tpu.memory_space<hbm>>)
        tpu.yield
      }) : () -> ()
      tpu.vector_store_idx %arg9[%and3A_188, %add3A_228], %broadcast_in_dim3A_192 masked %lt3A_190 : memref<8x4097xf32, #tpu.memory_space<vmem>>[vector<16xi32>, vector<16xi32>], vector<16xf32>, vector<16xi1>
      %scan3A_229 = arith.constant 0 : i32
      scf.yield %scan3A_229 : i32
    }
    %scan3A_199 = arith.constant 8 : i32
    %eq3A = arith.constant 0 : i32
    %eq3A_200 = arith.cmpi eq, %add3A, %eq3A : i32
    %convert_element_type3A = arith.extui %eq3A_200 : i1 to i32
    %cond3A = arith.constant 0 : i32
    %cond3A_201 = arith.cmpi ne, %convert_element_type3A, %cond3A : i32
    scf.if %cond3A_201 {
      %eq3A_202 = arith.constant 15 : i32
      %eq3A_203 = vector.broadcast %eq3A_202 : i32 to vector<16xi32>
      %eq3A_204 = arith.cmpi eq, %iota3A, %eq3A_203 : vector<16xi32>
      %jit3A = arith.constant 1.000000e+00 : f32
      %jit3A_205 = arith.constant 0.000000e+00 : f32
      %broadcast_in_dim3A_206 = vector.broadcast %jit3A : f32 to vector<16xf32>
      %broadcast_in_dim3A_207 = vector.broadcast %jit3A_205 : f32 to vector<16xf32>
      %select_n3A = arith.select %eq3A_204, %broadcast_in_dim3A_206, %broadcast_in_dim3A_207 : vector<16xi1>, vector<16xf32>
      %swap3A_208 = arith.constant 0 : i32
      %swap3A_209 = arith.index_cast %swap3A_208 : i32 to index
      %swap3A_210 = arith.constant 4081 : index
      %swap3A_211 = tpu.vector_load %arg8[%swap3A_209, %swap3A_210] {strides = array<i32>} : memref<8x4097xf32, #tpu.memory_space<vmem>>, vector<16xf32>,
      tpu.vector_store %arg8[%swap3A_209, %swap3A_210], %select_n3A {strides = array<i32>} : memref<8x4097xf32, #tpu.memory_space<vmem>>, vector<16xf32>,
      "tpu.region"() ({
        %run_scoped3A = tpu.sem_alloc : memref<!tpu.dma_semaphore, #tpu.memory_space<semaphore_mem>>
        %dma_start3A = arith.constant 0 : i32
        %dma_start3A_212 = arith.constant 0 : i32
        %dma_start3A_213 = tpu.memref_slice %arg8[%dma_start3A, %dma_start3A_212] : memref<8x4097xf32, #tpu.memory_space<vmem>> -> memref<1x4097xf32, #tpu.memory_space<vmem>>
        %dma_start3A_214 = arith.constant 4096 : i32
        %dma_start3A_215 = arith.constant 0 : i32
        %dma_start3A_216 = tpu.memref_slice %arg4[%dma_start3A_214, %dma_start3A_215] : memref<4097x4097xf32, #tpu.memory_space<hbm>> -> memref<1x4097xf32, #tpu.memory_space<hbm>>
        %dma_start3A_217 = arith.constant 4096 : i32
        %dma_start3A_218 = arith.constant 0 : i32
        %dma_start3A_219 = tpu.memref_slice %arg4[%dma_start3A_217, %dma_start3A_218] : memref<4097x4097xf32, #tpu.memory_space<hbm>> -> memref<1x4097xf32, #tpu.memory_space<hbm>>
        %dma_start3A_220 = arith.constant 0 : i32
        %dma_start3A_221 = arith.constant 0 : i32
        %dma_start3A_222 = tpu.memref_slice %arg8[%dma_start3A_220, %dma_start3A_221] : memref<8x4097xf32, #tpu.memory_space<vmem>> -> memref<1x4097xf32, #tpu.memory_space<vmem>>
        tpu.enqueue_dma source(%dma_start3A_222 : memref<1x4097xf32, #tpu.memory_space<vmem>>) target(%dma_start3A_219 : memref<1x4097xf32, #tpu.memory_space<hbm>>) target_semaphore(%run_scoped3A : memref<!tpu.dma_semaphore, #tpu.memory_space<semaphore_mem>>)
        %dma_wait3A = arith.constant 0 : i32
        %dma_wait3A_223 = arith.constant 0 : i32
        %dma_wait3A_224 = tpu.memref_slice %arg8[%dma_wait3A, %dma_wait3A_223] : memref<8x4097xf32, #tpu.memory_space<vmem>> -> memref<1x4097xf32, #tpu.memory_space<vmem>>
        %dma_wait3A_225 = arith.constant 4096 : i32
        %dma_wait3A_226 = arith.constant 0 : i32
        %dma_wait3A_227 = tpu.memref_slice %arg4[%dma_wait3A_225, %dma_wait3A_226] : memref<4097x4097xf32, #tpu.memory_space<hbm>> -> memref<1x4097xf32, #tpu.memory_space<hbm>>
        %dma_wait3A_228 = arith.constant 4096 : i32
        %dma_wait3A_229 = arith.constant 0 : i32
        %dma_wait3A_230 = tpu.memref_slice %arg4[%dma_wait3A_228, %dma_wait3A_229] : memref<4097x4097xf32, #tpu.memory_space<hbm>> -> memref<1x4097xf32, #tpu.memory_space<hbm>>
        %dma_wait3A_231 = arith.constant 0 : i32
        %dma_wait3A_232 = arith.constant 0 : i32
        %dma_wait3A_233 = tpu.memref_slice %arg8[%dma_wait3A_231, %dma_wait3A_232] : memref<8x4097xf32, #tpu.memory_space<vmem>> -> memref<1x4097xf32, #tpu.memory_space<vmem>>
        tpu.wait_dma2 semaphore(%run_scoped3A : memref<!tpu.dma_semaphore, #tpu.memory_space<semaphore_mem>>) src(%dma_wait3A_233 : memref<1x4097xf32, #tpu.memory_space<vmem>>) dst(%dma_wait3A_230 : memref<1x4097xf32, #tpu.memory_space<hbm>>)
        tpu.yield
      }) : () -> ()
    } else {
    }
    return
  }
}

module attributes {stable_mosaic.version = 14 : i64} {
  func.func @_tc_body(%arg0: i32, %arg1: memref<1x4097xf32, #tpu.memory_space<vmem>>, %arg2: memref<1x4097xf32, #tpu.memory_space<vmem>>, %arg3: memref<520x4097xf32, #tpu.memory_space<vmem>>, %arg4: memref<1x4096xf32, #tpu.memory_space<vmem>>, %arg5: memref<1x4096xf32, #tpu.memory_space<vmem>>) attributes {dimension_semantics = [#tpu.dimension_semantics<arbitrary>], iteration_bounds = array<i64: 8>, scalar_prefetch = 0 : i64, scratch_operands = 0 : i64, tpu.core_type = #tpu.core_type<tc>, window_params = [{pipeline_mode = #tpu.pipeline_mode<synchronous>, transform_indices = @transform_0, window_bounds = array<i64: 1, 4097>}, {pipeline_mode = #tpu.pipeline_mode<synchronous>, transform_indices = @transform_1, window_bounds = array<i64: 1, 4097>}, {transform_indices = @transform_2, window_bounds = array<i64: 520, 4097>}, {pipeline_mode = #tpu.pipeline_mode<synchronous>, transform_indices = @transform_3, window_bounds = array<i64: 1, 4096>}, {pipeline_mode = #tpu.pipeline_mode<synchronous>, transform_indices = @transform_4, window_bounds = array<i64: 1, 4096>}]} {
    %get3A = arith.constant 0 : index
    %get3A_0 = arith.constant 0 : index
    %get3A_1 = vector.load %arg1[%get3A, %get3A_0] : memref<1x4097xf32, #tpu.memory_space<vmem>>, vector<1x4097xf32>
    %get3A_2 = arith.constant 0 : index
    %get3A_3 = arith.constant 0 : index
    %get3A_4 = vector.load %arg2[%get3A_2, %get3A_3] : memref<1x4097xf32, #tpu.memory_space<vmem>>, vector<1x4097xf32>
    %le3A = arith.constant 0.000000e+00 : f32
    %le3A_5 = vector.broadcast %le3A : f32 to vector<1x4097xf32>
    %le3A_6 = arith.cmpf ole, %get3A_4, %le3A_5 : vector<1x4097xf32>
    %not3A = arith.constant dense<true> : vector<1x4097xi1>
    %not3A_7 = arith.xori %le3A_6, %not3A : vector<1x4097xi1>
    %ge3A = arith.constant 0.000000e+00 : f32
    %ge3A_8 = vector.broadcast %ge3A : f32 to vector<1x4097xf32>
    %ge3A_9 = arith.cmpf oge, %get3A_1, %ge3A_8 : vector<1x4097xf32>
    %and3A = arith.andi %not3A_7, %ge3A_9 : vector<1x4097xi1>
    %not3A_10 = arith.constant dense<true> : vector<1x4097xi1>
    %not3A_11 = arith.xori %le3A_6, %not3A_10 : vector<1x4097xi1>
    %lt3A = arith.constant 0.000000e+00 : f32
    %lt3A_12 = vector.broadcast %lt3A : f32 to vector<1x4097xf32>
    %lt3A_13 = arith.cmpf olt, %get3A_1, %lt3A_12 : vector<1x4097xf32>
    %and3A_14 = arith.andi %not3A_11, %lt3A_13 : vector<1x4097xi1>
    %neg3A = arith.constant 0.000000e+00 : f32
    %neg3A_15 = vector.broadcast %neg3A : f32 to vector<1x4097xf32>
    %neg3A_16 = arith.subf %neg3A_15, %get3A_1 : vector<1x4097xf32>
    %lt3A_17 = arith.cmpf olt, %get3A_4, %neg3A_16 : vector<1x4097xf32>
    %jit3A = arith.constant 9.99999974E-6 : f32
    %jit3A_18 = arith.constant 1.000000e+00 : f32
    %broadcast_in_dim3A = vector.broadcast %jit3A : f32 to vector<1x4097xf32>
    %broadcast_in_dim3A_19 = vector.broadcast %jit3A_18 : f32 to vector<1x4097xf32>
    %select_n3A = arith.select %lt3A_17, %broadcast_in_dim3A, %broadcast_in_dim3A_19 : vector<1x4097xi1>, vector<1x4097xf32>
    %sub3A = arith.subf %get3A_4, %get3A_1 : vector<1x4097xf32>
    %jit3A_20 = arith.constant 1.000000e+00 : f32
    %broadcast_in_dim3A_21 = vector.broadcast %jit3A_20 : f32 to vector<1x4097xf32>
    %select_n3A_22 = arith.select %and3A_14, %sub3A, %broadcast_in_dim3A_21 : vector<1x4097xi1>, vector<1x4097xf32>
    %div3A = arith.divf %get3A_4, %select_n3A_22 : vector<1x4097xf32>
    %jit3A_23 = arith.constant 0.000000e+00 : f32
    %broadcast_in_dim3A_24 = vector.broadcast %jit3A_23 : f32 to vector<1x4097xf32>
    %select_n3A_25 = arith.select %and3A_14, %div3A, %broadcast_in_dim3A_24 : vector<1x4097xi1>, vector<1x4097xf32>
    %jit3A_26 = arith.constant 0.000000e+00 : f32
    %broadcast_in_dim3A_27 = vector.broadcast %jit3A_26 : f32 to vector<1x4097xf32>
    %select_n3A_28 = arith.select %and3A_14, %select_n3A_25, %broadcast_in_dim3A_27 : vector<1x4097xi1>, vector<1x4097xf32>
    %jit3A_29 = arith.constant 1.000000e+00 : f32
    %broadcast_in_dim3A_30 = vector.broadcast %jit3A_29 : f32 to vector<1x4097xf32>
    %select_n3A_31 = arith.select %and3A, %broadcast_in_dim3A_30, %select_n3A_28 : vector<1x4097xi1>, vector<1x4097xf32>
    %neg3A_32 = arith.constant 0.000000e+00 : f32
    %neg3A_33 = vector.broadcast %neg3A_32 : f32 to vector<1x4097xf32>
    %neg3A_34 = arith.subf %neg3A_33, %select_n3A_25 : vector<1x4097xf32>
    %mul3A = arith.mulf %neg3A_34, %get3A_1 : vector<1x4097xf32>
    %jit3A_35 = arith.constant 0.000000e+00 : f32
    %broadcast_in_dim3A_36 = vector.broadcast %jit3A_35 : f32 to vector<1x4097xf32>
    %select_n3A_37 = arith.select %and3A_14, %mul3A, %broadcast_in_dim3A_36 : vector<1x4097xi1>, vector<1x4097xf32>
    %mul3A_38 = arith.constant 520 : i32
    %mul3A_39 = arith.muli %arg0, %mul3A_38 : i32
    %iota3A = tpu.iota {dimensions = array<i32: 0>} : vector<520x4097xi32>
    %add3A = vector.broadcast %mul3A_39 : i32 to vector<520x4097xi32>
    %add3A_40 = arith.addi %add3A, %iota3A : vector<520x4097xi32>
    %iota3A_41 = tpu.iota {dimensions = array<i32: 1>} : vector<520x4097xi32>
    %eq3A = arith.cmpi eq, %add3A_40, %iota3A_41 : vector<520x4097xi32>
    %eq3A_42 = arith.constant 7 : i32
    %eq3A_43 = arith.cmpi eq, %arg0, %eq3A_42 : i32
    %convert_element_type3A = arith.extui %eq3A_43 : i1 to i32
    %cond3A = arith.constant 0.000000e+00 : f32
    %cond3A_44 = arith.constant 0 : i32
    %cond3A_45 = arith.cmpi ne, %convert_element_type3A, %cond3A_44 : i32
    scf.if %cond3A_45 {
      %eq3A_57 = arith.constant 4096 : i32
      %eq3A_58 = vector.broadcast %eq3A_57 : i32 to vector<520x4097xi32>
      %eq3A_59 = arith.cmpi eq, %add3A_40, %eq3A_58 : vector<520x4097xi32>
      %broadcast_in_dim3A_60 = vector.shape_cast %select_n3A_37 : vector<1x4097xf32> to vector<1x4097xf32>
      %broadcast_in_dim3A_61 = vector.broadcast %broadcast_in_dim3A_60 : vector<1x4097xf32> to vector<520x4097xf32>
      %broadcast_in_dim3A_62 = vector.broadcast %cond3A : f32 to vector<520x4097xf32>
      %select_n3A_63 = arith.select %eq3A_59, %broadcast_in_dim3A_61, %broadcast_in_dim3A_62 : vector<520x4097xi1>, vector<520x4097xf32>
      %broadcast_in_dim3A_64 = vector.shape_cast %select_n3A_31 : vector<1x4097xf32> to vector<1x4097xf32>
      %broadcast_in_dim3A_65 = vector.broadcast %broadcast_in_dim3A_64 : vector<1x4097xf32> to vector<520x4097xf32>
      %select_n3A_66 = arith.select %eq3A, %broadcast_in_dim3A_65, %select_n3A_63 : vector<520x4097xi1>, vector<520x4097xf32>
      %swap3A = arith.constant 0 : index
      %swap3A_67 = arith.constant 0 : index
      %swap3A_68 = vector.load %arg3[%swap3A, %swap3A_67] : memref<520x4097xf32, #tpu.memory_space<vmem>>, vector<520x4097xf32>
      tpu.vector_store %arg3[%swap3A, %swap3A_67], %select_n3A_66 {strides = array<i32>} : memref<520x4097xf32, #tpu.memory_space<vmem>>, vector<520x4097xf32>,
    } else {
    }
    %ne3A = arith.constant 7 : i32
    %ne3A_46 = arith.cmpi ne, %arg0, %ne3A : i32
    %convert_element_type3A_47 = arith.extui %ne3A_46 : i1 to i32
    %cond3A_48 = arith.constant 0.000000e+00 : f32
    %cond3A_49 = arith.constant 0 : i32
    %cond3A_50 = arith.cmpi ne, %convert_element_type3A_47, %cond3A_49 : i32
    scf.if %cond3A_50 {
      %broadcast_in_dim3A_57 = vector.shape_cast %select_n3A_31 : vector<1x4097xf32> to vector<1x4097xf32>
      %broadcast_in_dim3A_58 = vector.broadcast %broadcast_in_dim3A_57 : vector<1x4097xf32> to vector<520x4097xf32>
      %broadcast_in_dim3A_59 = vector.broadcast %cond3A_48 : f32 to vector<520x4097xf32>
      %select_n3A_60 = arith.select %eq3A, %broadcast_in_dim3A_58, %broadcast_in_dim3A_59 : vector<520x4097xi1>, vector<520x4097xf32>
      %swap3A = arith.constant 0 : index
      %swap3A_61 = arith.constant 0 : index
      %swap3A_62 = vector.load %arg3[%swap3A, %swap3A_61] : memref<520x4097xf32, #tpu.memory_space<vmem>>, vector<520x4097xf32>
      tpu.vector_store %arg3[%swap3A, %swap3A_61], %select_n3A_60 {strides = array<i32>} : memref<520x4097xf32, #tpu.memory_space<vmem>>, vector<520x4097xf32>,
    } else {
    }
    %eq3A_51 = arith.constant 0 : i32
    %eq3A_52 = arith.cmpi eq, %arg0, %eq3A_51 : i32
    %convert_element_type3A_53 = arith.extui %eq3A_52 : i1 to i32
    %cond3A_54 = arith.constant 0.000000e+00 : f32
    %cond3A_55 = arith.constant 0 : i32
    %cond3A_56 = arith.cmpi ne, %convert_element_type3A_53, %cond3A_55 : i32
    scf.if %cond3A_56 {
      %mul3A_57 = arith.mulf %select_n3A, %get3A_1 : vector<1x4097xf32>
      %broadcast_in_dim3A_58 = vector.broadcast %cond3A_54 : f32 to vector<1x4097xf32>
      %select_n3A_59 = arith.select %and3A_14, %mul3A_57, %broadcast_in_dim3A_58 : vector<1x4097xi1>, vector<1x4097xf32>
      %select_n3A_60 = arith.select %and3A, %get3A_1, %select_n3A_59 : vector<1x4097xi1>, vector<1x4097xf32>
      %broadcast_in_dim3A_61 = vector.broadcast %cond3A_54 : f32 to vector<1x4097xf32>
      %select_n3A_62 = arith.select %le3A_6, %broadcast_in_dim3A_61, %get3A_4 : vector<1x4097xi1>, vector<1x4097xf32>
      %slice3A = vector.extract_strided_slice %select_n3A_60 {offsets = [0, 0], sizes = [1, 4096], strides = [1, 1]} : vector<1x4097xf32> to vector<1x4096xf32>
      %swap3A = arith.constant 0 : index
      %swap3A_63 = arith.constant 0 : index
      %swap3A_64 = vector.load %arg4[%swap3A, %swap3A_63] : memref<1x4096xf32, #tpu.memory_space<vmem>>, vector<1x4096xf32>
      tpu.vector_store %arg4[%swap3A, %swap3A_63], %slice3A {strides = array<i32>} : memref<1x4096xf32, #tpu.memory_space<vmem>>, vector<1x4096xf32>,
      %slice3A_65 = vector.extract_strided_slice %select_n3A_62 {offsets = [0, 0], sizes = [1, 4096], strides = [1, 1]} : vector<1x4097xf32> to vector<1x4096xf32>
      %swap3A_66 = arith.constant 0 : index
      %swap3A_67 = arith.constant 0 : index
      %swap3A_68 = vector.load %arg5[%swap3A_66, %swap3A_67] : memref<1x4096xf32, #tpu.memory_space<vmem>>, vector<1x4096xf32>
      tpu.vector_store %arg5[%swap3A_66, %swap3A_67], %slice3A_65 {strides = array<i32>} : memref<1x4096xf32, #tpu.memory_space<vmem>>, vector<1x4096xf32>,
    } else {
    }
    return
  }
  func.func @transform_0(%arg0: i32) -> (i32, i32) {
    %c0_i32 = arith.constant 0 : i32
    %c0_i32_0 = arith.constant 0 : i32
    %c0_i32_1 = arith.constant 0 : i32
    return %c0_i32, %c0_i32_0 : i32, i32
  }
  func.func @transform_1(%arg0: i32) -> (i32, i32) {
    %c0_i32 = arith.constant 0 : i32
    %c0_i32_0 = arith.constant 0 : i32
    %c0_i32_1 = arith.constant 0 : i32
    return %c0_i32, %c0_i32_0 : i32, i32
  }
  func.func @transform_2(%arg0: i32) -> (i32, i32) {
    %c0_i32 = arith.constant 0 : i32
    %c0_i32_0 = arith.constant 0 : i32
    return %arg0, %c0_i32 : i32, i32
  }
  func.func @transform_3(%arg0: i32) -> (i32, i32) {
    %c0_i32 = arith.constant 0 : i32
    %c0_i32_0 = arith.constant 0 : i32
    %c0_i32_1 = arith.constant 0 : i32
    return %c0_i32, %c0_i32_0 : i32, i32
  }
  func.func @transform_4(%arg0: i32) -> (i32, i32) {
    %c0_i32 = arith.constant 0 : i32
    %c0_i32_0 = arith.constant 0 : i32
    %c0_i32_1 = arith.constant 0 : i32
    return %c0_i32, %c0_i32_0 : i32, i32
  }
}

</mosaic_0001>

<sc_bundles>
// kernel: kernel.4.cloned.1.call-start
scs
__scs_entry_jumppad:
0x0: {  	(pc) =	sbr.rel $0x88, $3  }
0x1: {  	(tag) =	ssettag $0x0;
	lr =	simm.s32 $0x1  }
0x2: {  	[smem:$0x3F9F] =	sst lr;
	_ =	strace $0xD0000000  }
0x3: {  	_ = 	snop  }
0x4: {  	_ = 	snop  }
0x5: {  	_ = 	snop  }
0x6: {  	_ = 	snop  }
0x7: {  	_ = 	snop  }
__scs_overlays_trampoline_lowered:
0x8: {  	[smem:$0x3FAE] =	sst s0  }
0x9: {  	[smem:$0x3FAF] =	sst s1  }
0xa: {  	[smem:$0x3FB0] =	sst s2  }
0xb: {  	[smem:$0x3FB1] =	sst s3  }
0xc: {  	[smem:$0x3FB2] =	sst s4  }
0xd: {  	[smem:$0x3FB3] =	sst s5  }
0xe: {  	[smem:$0x3FB4] =	sst s6  }
0xf: {  	[smem:$0x3FB5] =	sst s7  }
0x10: {  	[smem:$0x3FB6] =	sst s8  }
0x11: {  	[smem:$0x3FB7] =	sst s9;
	s0 =	simm.s32 @!p0 $0x0  }
0x12: {  	s1 =	sld [smem:$0x3F9D];
	s0 =	simm.s32 @p0 $0x1  }
0x13: {  	[smem:$0x3FB8] =	sst s0;
	s0 =	simm.s32 @!p1 $0x0  }
0x14: {  	s2 =	sld [smem:$0x3F9C];
	s0 =	simm.s32 @p1 $0x1  }
0x15: {  	[smem:$0x3FB9] =	sst s0;
	s0 =	simm.s32 @!p2 $0x0  }
0x16: {  	s3 =	sld [smem:$0x3FDB];
	s0 =	simm.s32 @p2 $0x1  }
0x17: {  	s4 =	simm.s32 $0x1BF5;
	[smem:$0x3FBB] =	sst s0  }
0x18: {  	s0 =	sld [smem:$0x3F9E];
	_ =	swait.ge [sflag:s4], $0x0  }
0x19: {  	s7 =	sld [smem:$0x3F9F]  }
0x1a: {  	s8 =	sadd.s32 $0xFFFFE003, lr  }
0x1b: {  	s9 =	sadd.s32 $0xFFFFFEF7, lr;
	s5 =	simm.s32 $0xFFFFFFFF;
	p2 =	slt.u32 s8, $0xFFFFF086  }
0x1c: {  	p1 =	slt.u32 s9, $0xF7A;
	s5 =	simm.s32 @!p2 $0x0  }
0x1d: {  	s5 =	simm.s32 @p1 $0x1;
	p0 =	seq.s32 s7, s2  }
0x1e: {  	s7 =	smul.u32 @!p0 $0xF7A, s2;
	p2 =	seq.s32 @!p0 s5, $0x0  }
0x1f: {  	s9 =	smul.u32 $0xF7A, s1;
	s8 =	simm.s32 @!p0 $0x1BF5;
	p2 =	por !p2, p0  }
0x20: {  	[sflag:s8] =	ssyncset.s32 @!p0 $0xFFFFF086;
	s6 =	sadd.s32 @!p0 s3, s7;
	s7 =	simm.s32 @!p0 $0x108  }
0x21: {  	s3 =	sadd.s32 s3, s9;
	s6 =	sadd.s32 @!p0 $0x88, s6;
	s7 =	simm.s32 @p2 $0x1082  }
0x22: {  	[simem:s7], [sflag:s8] =	dma.local @!p0 [hbm:s6], $0xF7A  }
0x23: {  	s9 =	sor.u32 $0xD0000000, s2;
	s6 =	simm.s32 $0x108;
	_ =	swait.ge @!p0 [sflag:s8], $0x0  }
0x24: {  	s3 =	sadd.s32 $0x88, s3;
	s6 =	simm.s32 @!p1 $0x1082;
	[sflag:s4] =	ssyncset.s32 $0xFFFFF086  }
0x25: {  	[simem:s6], [sflag:s4] =	dma.local [hbm:s3], $0xF7A  }
0x26: {  	[smem:$0x3F9F] =	sst s1;
	(tag) =	ssettag s2;
	_ =	strace s9  }
0x27: {  	s1 =	sld [smem:$0x3FAF]  }
0x28: {  	s2 =	sld [smem:$0x3FB0]  }
0x29: {  	s4 =	sld [smem:$0x3FB2]  }
0x2a: {  	p0 =	seq.s32 s5, $0x0;
	s5 =	sld [smem:$0x3FB3]  }
0x2b: {  	s6 =	sld [smem:$0x3FB4]  }
0x2c: {  	s7 =	sld [smem:$0x3FB5]  }
0x2d: {  	s3 =	simm.s32 $0x108;
	s8 =	sld [smem:$0x3FB6]  }
0x2e: {  	s3 =	simm.s32 @!p0 $0x1082;
	s9 =	sld [smem:$0x3FB7]  }
0x2f: {  	lr =	sadd.s32 s0, s3;
	s0 =	sld [smem:$0x3FAE]  }
0x30: {  	s3 =	sld [smem:$0x3FB1]  }
0x31: {  	[smem:$0x3FBA] =	sst s10  }
0x32: {  	s10 =	sld [smem:$0x3FB8];
	_ =	sdelay $0x3  }
0x33: {  	p0 =	seq.s32 s10, $0x1;
	s10 =	sld [smem:$0x3FBA];
	_ =	sdelay $0x3  }
0x34: {  	[smem:$0x3FBA] =	sst s10  }
0x35: {  	s10 =	sld [smem:$0x3FB9];
	_ =	sdelay $0x3  }
0x36: {  	p1 =	seq.s32 s10, $0x1;
	s10 =	sld [smem:$0x3FBA];
	_ =	sdelay $0x3  }
0x37: {  	[smem:$0x3FBA] =	sst s10  }
0x38: {  	s10 =	sld [smem:$0x3FBB]  }
0x39: {  	_ = 	snop;
	(pc) =	sbr.ind lr, $3  }
0x3a: {  	_ = 	snop  }
0x3b: {  	_ = 	snop  }
0x3c: {  	p2 =	seq.s32 s10, $0x1;
	s10 =	sld [smem:$0x3FBA]  }
0x3d: {  	_ =	shalt  }
0x3e: {  	_ =	shalt  }
0x3f: {  	_ =	shalt  }
0x40: {  	_ =	shalt  }
0x41: {  	_ =	shalt  }
0x42: {  	_ =	shalt  }
0x43: {  	_ =	shalt  }
0x44: {  	_ =	shalt  }
0x45: {  	_ =	shalt  }
0x46: {  	_ =	shalt  }
0x47: {  	_ =	shalt  }
0x48: {  	_ =	shalt  }
0x49: {  	_ =	shalt  }
0x4a: {  	_ =	shalt  }
0x4b: {  	_ =	shalt  }
0x4c: {  	_ =	shalt  }
0x4d: {  	_ =	shalt  }
0x4e: {  	_ =	shalt  }
0x4f: {  	_ =	shalt  }
0x50: {  	_ =	shalt  }
0x51: {  	_ =	shalt  }
0x52: {  	_ =	shalt  }
0x53: {  	_ =	shalt  }
0x54: {  	_ =	shalt  }
0x55: {  	_ =	shalt  }
0x56: {  	_ =	shalt  }
0x57: {  	_ =	shalt  }
0x58: {  	_ =	shalt  }
0x59: {  	_ =	shalt  }
0x5a: {  	_ =	shalt  }
0x5b: {  	_ =	shalt  }
0x5c: {  	_ =	shalt  }
0x5d: {  	_ =	shalt  }
0x5e: {  	_ =	shalt  }
0x5f: {  	_ =	shalt  }
0x60: {  	_ =	shalt  }
0x61: {  	_ =	shalt  }
0x62: {  	_ =	shalt  }
0x63: {  	_ =	shalt  }
0x64: {  	_ =	shalt  }
0x65: {  	_ =	shalt  }
0x66: {  	_ =	shalt  }
0x67: {  	_ =	shalt  }
0x68: {  	_ =	shalt  }
0x69: {  	_ =	shalt  }
0x6a: {  	_ =	shalt  }
0x6b: {  	_ =	shalt  }
0x6c: {  	_ =	shalt  }
0x6d: {  	_ =	shalt  }
0x6e: {  	_ =	shalt  }
0x6f: {  	_ =	shalt  }
0x70: {  	_ =	shalt  }
0x71: {  	_ =	shalt  }
0x72: {  	_ =	shalt  }
0x73: {  	_ =	shalt  }
0x74: {  	_ =	shalt  }
0x75: {  	_ =	shalt  }
0x76: {  	_ =	shalt  }
0x77: {  	_ =	shalt  }
0x78: {  	_ =	shalt  }
0x79: {  	_ =	shalt  }
0x7a: {  	_ =	shalt  }
0x7b: {  	_ =	shalt  }
0x7c: {  	_ =	shalt  }
0x7d: {  	_ =	shalt  }
0x7e: {  	_ =	shalt  }
0x7f: {  	_ =	shalt  }
0x80: {  	_ =	shalt  }
0x81: {  	_ =	shalt  }
0x82: {  	_ =	shalt  }
0x83: {  	_ =	shalt  }
0x84: {  	_ =	shalt  }
0x85: {  	_ =	shalt  }
0x86: {  	_ =	shalt  }
0x87: {  	_ =	shalt  }
.Lfunc_end0:
.L_simem_size_0:
called_computation_lowered:
.L_overlay_start_0:
0x88: {  	s2 =	sld [smem:$0x3FD9]  }
0x89: {  	s3 =	sld [smem:$0x3FFE];
	_ =	sdelay $0x1  }
0x8a: {  	s1 =	srdreg.scid  }
0x8b: {  	s0 =	sand.u32 $0x1, s1  }
0x8c: {  	s17 =	sshll.u32 s0, $0xA;
	s2 =	sadd.s32 s3, s2  }
0x8d: {  	s2 =	sadd.s32 s2, s17  }
0x8e: {  	[smem:$0x3FC6] =	sst s2  }
0x8f: {  	_ = 	snop  }
0x90: {  	s2 =	sld [smem:$0x3FC9]  }
0x91: {  	s18 =	sld [smem:$0x3FC8];
	(tm) =	ssettm $0x1  }
0x92: {  	s4 =	sld [smem:$0x3FFB];
	_ =	sdelay $0x3  }
0x93: {  	_ =	strace s4  }
0x94: {  	s4 =	sld [smem:$0x3FFC];
	_ =	sdelay $0x3  }
0x95: {  	_ =	strace s4  }
0x96: {  	s4 =	sld [smem:$0x3FFD];
	_ =	sdelay $0x3  }
0x97: {  	_ =	strace s4  }
0x98: {  	_ =	strace $0x8FFFFFFF  }
0x99: {  	s19 =	sld [smem:$0x3FDB];
	_ =	sdelay $0x1  }
0x9a: {  	s5 =	simm.s32 $_scs_section_size  }
0x9b: {  	s6 =	simm.s32 $_size__tile_overlayer_lowered;
	s7 =	simm.s32 $_tile_overlayer_lowered  }
0x9c: {  	s22 =	simm.s32 $0x1BFF;
	s21 =	sshll.u32 s7, $0x1;
	s4 =	sadd.s32 s5, s19  }
0x9d: {  	s8 =	simm.s32 $0x0;
	s20 =	sshll.u32 s6, $0x1;
	s6 =	sadd.s32 s21, s4  }
0x9e: {  	[timem:s8], [sflag:s22] =	dma.local [hbm:s6], s20  }
0x9f: {  	_ =	swait.ge [sflag:s22], s20  }
0xa0: {  	s5 =	ssub.s32 $0x0, s20;
	[sflag:s22] =	ssyncset.done $0x0  }
0xa1: {  	[sflag:s22] =	ssyncadd.s32 s5;
	_ =	sdelay $0x1  }
0xa2: {  	s23 =	simm.s32 $0x1B8B  }
0xa3: {  	_ =	swait.ge [sflag:s23], $0x1  }
0xa4: {  	[sflag:s23] =	ssyncset.done $0x0  }
0xa5: {  	s25 =	simm.s32 $0x1B8E;
	s24 =	sld [smem:$0x3FFE];
	[sflag:s23] =	ssyncadd.s32 $0xFFFFFFFF  }
0xa6: {  	s26 =	simm.s32 $execute0_lowered;
	[smem:$0x3FD2] =	sst s25  }
0xa7: {  	s6 =	sshll.u32 s26, $0x1;
	_ =	strace $0x80000046;
	[dreg:$0x1] =	wrdreg $0xFFFFFFFF  }
0xa8: {  	s28 =	simm.s32 $_size_execute0_lowered;
	s4 =	sadd.s32 s4, s6;
	[dreg:$0x0] =	wrdreg $0x0  }
0xa9: {  	s6 =	sshll.u32 s28, $0x1;
	[dreg:$0x2] =	wrdreg s4  }
0xaa: {  	[dreg:$0x3] =	wrdreg s6  }
0xab: {  	[dreg:$0x4] =	wrdreg $0xC0  }
0xac: {  	_ =	task [dreg:s8], $0x5FFFF  }
0xad: {  	[dreg:$0x1] =	wrdreg $0xFFFFFFFF  }
0xae: {  	[dreg:$0x0] =	wrdreg $0x60  }
0xaf: {  	[dreg:$0x2] =	wrdreg s2  }
0xb0: {  	[dreg:$0x3] =	wrdreg s18  }
0xb1: {  	[dreg:$0x4] =	wrdreg s24  }
0xb2: {  	[dreg:$0x5] =	wrdreg $0x9  }
0xb3: {  	_ =	task.clear_ibuf [dreg:s8], $0x6FFFF;
	_ =	strace $0x90000046  }
0xb4: {  	s29 =	simm.s32 $0x9;
	_ =	strace $0x80000048  }
0xb5: {  	_ =	swait.ge [sflag:s29], $0x1  }
0xb6: {  	[sflag:s29] =	ssyncadd.s32 $0xFFFFFFFF  }
0xb7: {  	_ =	strace $0x90000048  }
0xb8: {  	_ =	sfence  }
0xb9: {  	s30 =	sld [smem:$0x0];
	_ =	sdelay $0x2  }
0xba: {  	s31 =	sshll.u32 s1, $0xD;
	s1 =	sshrl.u32 s1, $0x2  }
0xbb: {  	s3 =	sand.u32 $0x4000, s31;
	s1 =	sadd.s32 s1, s30  }
0xbc: {  	s0 =	sor.u32 s3, s0;
	s1 =	sshll.u32 s1, $0x11  }
0xbd: {  	s0 =	sor.u32 s1, s0  }
0xbe: {  	s0 =	sadd.s32 $0x8F2B, s0  }
0xbf: {  	[sflag:s0] =	ssyncadd.remote.s32 $0x1  }
0xc0: {  	_ =	sfence.sel $0xFFFF  }
0xc1: {  	[dreg:$0x0] =	wrdreg $0xFFFFFFFF;
	(pc) =	sbr.abs _section_cstart, $3  }
0xc2: {  	[dreg:$0x1] =	wrdreg $0xFFFFFFFF  }
0xc3: {  	_ =	task.clear_ibuf [dreg:s8], $0x2FFFF;
	_ =	strace $0x9FFFFFFF  }
0xc4: {  	(tm) =	ssettm $0x7FFFFFFF  }
0xc5: {  	_ =	shalt  }
tec
execute0_lowered:
.L_overlay_start_1:
0x0: {  	(tag) =	ssettag $0x1  }
0x1: {  	s3 =	rddreg [dreg:$0x0]  }
0x2: {  	s4 =	rddreg [dreg:$0x1]  }
0x3: {  	s5 =	rddreg [dreg:$0x2]  }
0x4: {  	s0 =	rddreg [dreg:$0x3];
	s2 =	simm.s32 $0x0  }
0x5: {  	s1 =	stileid.u32;
	s6 =	srdreg.scid;
	s12 =	simm.s32 $0x81D0  }
0x6: {  	s13 =	simm.s32 $0x0;
	[smem:$0x7FF] =	sst s2;
	s7 =	smul.u32 $0x20100, s1  }
0x7: {  	s6 =	sand.u32 $0x1, s6;
	s8 =	sshll.u32 s1, $0x1;
	s30 =	sshll.u32 s1, $0x8  }
0x8: {  	_ =	strace $0x80000047;
	s9 =	ssub.s32 $0x2, s6;
	s11 =	sor.u32 s6, s8  }
0x9: {  	s29 =	smul.u32 $0x10080, s6;
	s6 =	sshll.u32 s6, $0x7;
	s7 =	sadd.s32 s7, s5  }
0xa: {  	s28 =	sshrl.u32 s9, $0x1;
	s10 =	sshll.u32 s11, $0x4;
	s5 =	sadd.s32 $0x201C00, s5  }
0xb: {  	s31 =	sor.u32 s6, s30;
	p0 =	sne.s32 s11, $0x0;
	s11 =	simm.s32 $0x190  }
0xc: {  	v0 =	vimm.f32 $0.0e+00;
	v1 =	vimm.f32 $1.000000000e+00;
	v2 =	vlaneseq.u32;
	s8 =	ssub.s32 s9, s28;
	s3 =	sadd.s32 s3, s10;
	s4 =	sadd.s32 s4, s10  }
0xd: {  	v3 =	vimm.s32 $0x0;
	vm0 =	vcmask $0x300;
	v4 =	vand.u32 $0x7, v2;
	s7 =	sadd.s32 s29, s7;
	s9 =	simm.s32 $0x1;
	s10 =	simm.s32 $0x80  }
0xe: {  	v2 =	vsel vm0, $0x3, v3;
	v3 =	vmul.u32 $0x1009, v4;
	vm0 =	vcmask @!p0 $0x3B00;
	s6 =	smax.u32 s8, $0x1;
	s7 =	sadd.s32 $0xC00, s7;
	s8 =	sor.u32 $0x8, s31  }
.LBB2_1:
0xf: {  	s14 =	simm.s32 $0x40;
	s15 =	simm.s32 $0x0  }
.LBB2_2:
0x10: {  	p1 =	sne.s32 s14, $0x3FC0;
	[tilespmem:s15+$0x190] =	vst v0;
	s15 =	smov.u32 s14;
	s14 =	sadd.s32 $0x40, s14  }
.Ltmp0:
0x11: {  	(pc) =	sbr.rel @p1 .LBB2_2-.Ltmp0, $2  }
0x12: {  	_ =	sdelay $0x2  }
0x13: {  	s15 =	sshra.s32 s15, $0x2  }
0x14: {  	[tilespmem:s15+$0x190] =	vst v0  }
0x15: {  	s14 =	simm.s32 $0x40;
	s15 =	simm.s32 $0x0;
	[tilespmem:$0x1181] =	vst v0  }
.LBB2_4:
0x16: {  	p1 =	sne.s32 s14, $0x3FC0;
	[tilespmem:s15+$0x1198] =	vst v0;
	s15 =	smov.u32 s14;
	s14 =	sadd.s32 $0x40, s14  }
.Ltmp1:
0x17: {  	(pc) =	sbr.rel @p1 .LBB2_4-.Ltmp1, $2  }
0x18: {  	_ =	sdelay $0x2  }
0x19: {  	s15 =	sshra.s32 s15, $0x2  }
0x1a: {  	[tilespmem:s15+$0x1198] =	vst v0  }
0x1b: {  	s14 =	simm.s32 $0x40;
	s15 =	simm.s32 $0x0;
	[tilespmem:$0x2189] =	vst v0  }
.LBB2_6:
0x1c: {  	p1 =	sne.s32 s14, $0x3FC0;
	[tilespmem:s15+$0x21A0] =	vst v0;
	s15 =	smov.u32 s14;
	s14 =	sadd.s32 $0x40, s14  }
.Ltmp2:
0x1d: {  	(pc) =	sbr.rel @p1 .LBB2_6-.Ltmp2, $2  }
0x1e: {  	_ =	sdelay $0x2  }
0x1f: {  	s15 =	sshra.s32 s15, $0x2  }
0x20: {  	[tilespmem:s15+$0x21A0] =	vst v0  }
0x21: {  	s14 =	simm.s32 $0x40;
	s15 =	simm.s32 $0x0;
	[tilespmem:$0x3191] =	vst v0  }
.LBB2_8:
0x22: {  	p1 =	sne.s32 s14, $0x3FC0;
	[tilespmem:s15+$0x31A8] =	vst v0;
	s15 =	smov.u32 s14;
	s14 =	sadd.s32 $0x40, s14  }
.Ltmp3:
0x23: {  	(pc) =	sbr.rel @p1 .LBB2_8-.Ltmp3, $2  }
0x24: {  	_ =	sdelay $0x2  }
0x25: {  	s15 =	sshra.s32 s15, $0x2  }
0x26: {  	[tilespmem:s15+$0x31A8] =	vst v0  }
0x27: {  	s14 =	simm.s32 $0x40;
	s15 =	simm.s32 $0x0;
	[tilespmem:$0x4199] =	vst v0  }
.LBB2_10:
0x28: {  	p1 =	sne.s32 s14, $0x3FC0;
	[tilespmem:s15+$0x41B0] =	vst v0;
	s15 =	smov.u32 s14;
	s14 =	sadd.s32 $0x40, s14  }
.Ltmp4:
0x29: {  	(pc) =	sbr.rel @p1 .LBB2_10-.Ltmp4, $2  }
0x2a: {  	_ =	sdelay $0x2  }
0x2b: {  	s15 =	sshra.s32 s15, $0x2  }
0x2c: {  	[tilespmem:s15+$0x41B0] =	vst v0  }
0x2d: {  	s14 =	simm.s32 $0x40;
	s15 =	simm.s32 $0x0;
	[tilespmem:$0x51A1] =	vst v0  }
.LBB2_12:
0x2e: {  	p1 =	sne.s32 s14, $0x3FC0;
	[tilespmem:s15+$0x51B8] =	vst v0;
	s15 =	smov.u32 s14;
	s14 =	sadd.s32 $0x40, s14  }
.Ltmp5:
0x2f: {  	(pc) =	sbr.rel @p1 .LBB2_12-.Ltmp5, $2  }
0x30: {  	_ =	sdelay $0x2  }
0x31: {  	s15 =	sshra.s32 s15, $0x2  }
0x32: {  	[tilespmem:s15+$0x51B8] =	vst v0  }
0x33: {  	s14 =	simm.s32 $0x40;
	s15 =	simm.s32 $0x0;
	[tilespmem:$0x61A9] =	vst v0  }
.LBB2_14:
0x34: {  	p1 =	sne.s32 s14, $0x3FC0;
	[tilespmem:s15+$0x61C0] =	vst v0;
	s15 =	smov.u32 s14;
	s14 =	sadd.s32 $0x40, s14  }
.Ltmp6:
0x35: {  	(pc) =	sbr.rel @p1 .LBB2_14-.Ltmp6, $2  }
0x36: {  	_ =	sdelay $0x2  }
0x37: {  	s15 =	sshra.s32 s15, $0x2  }
0x38: {  	[tilespmem:s15+$0x61C0] =	vst v0  }
0x39: {  	s14 =	simm.s32 $0x40;
	s15 =	simm.s32 $0x0;
	[tilespmem:$0x71B1] =	vst v0  }
.LBB2_16:
0x3a: {  	p1 =	sne.s32 s14, $0x3FC0;
	[tilespmem:s15+$0x71C8] =	vst v0;
	s15 =	smov.u32 s14;
	s14 =	sadd.s32 $0x40, s14  }
.Ltmp7:
0x3b: {  	(pc) =	sbr.rel @p1 .LBB2_16-.Ltmp7, $2  }
0x3c: {  	_ =	sdelay $0x2  }
0x3d: {  	s15 =	sshra.s32 s15, $0x2  }
0x3e: {  	[tilespmem:s15+$0x71C8] =	vst v0  }
0x3f: {  	s14 =	simm.s32 $0x40;
	s15 =	simm.s32 $0x0;
	[tilespmem:$0x81B9] =	vst v0  }
.LBB2_18:
0x40: {  	p1 =	sne.s32 s14, $0x3FC0;
	[tilespmem:s15+$0x81D0] =	vst v0;
	s15 =	smov.u32 s14;
	s14 =	sadd.s32 $0x40, s14  }
.Ltmp8:
0x41: {  	(pc) =	sbr.rel @p1 .LBB2_18-.Ltmp8, $2  }
0x42: {  	_ =	sdelay $0x2  }
0x43: {  	s15 =	sshra.s32 s15, $0x2  }
0x44: {  	[tilespmem:s15+$0x81D0] =	vst v0  }
0x45: {  	s14 =	simm.s32 $0x40;
	s15 =	simm.s32 $0x0;
	[tilespmem:$0x91C1] =	vst v0  }
.LBB2_20:
0x46: {  	p1 =	sne.s32 s14, $0x3FC0;
	[tilespmem:s15+$0x91D8] =	vst v0;
	s15 =	smov.u32 s14;
	s14 =	sadd.s32 $0x40, s14  }
.Ltmp9:
0x47: {  	(pc) =	sbr.rel @p1 .LBB2_20-.Ltmp9, $2  }
0x48: {  	_ =	sdelay $0x2  }
0x49: {  	s15 =	sshra.s32 s15, $0x2  }
0x4a: {  	[tilespmem:s15+$0x91D8] =	vst v0  }
0x4b: {  	s14 =	simm.s32 $0x40;
	s15 =	simm.s32 $0x0;
	[tilespmem:$0xA1C9] =	vst v0  }
.LBB2_22:
0x4c: {  	p1 =	sne.s32 s14, $0x3FC0;
	[tilespmem:s15+$0xA1E0] =	vst v0;
	s15 =	smov.u32 s14;
	s14 =	sadd.s32 $0x40, s14  }
.Ltmp10:
0x4d: {  	(pc) =	sbr.rel @p1 .LBB2_22-.Ltmp10, $2  }
0x4e: {  	_ =	sdelay $0x2  }
0x4f: {  	s15 =	sshra.s32 s15, $0x2  }
0x50: {  	[tilespmem:s15+$0xA1E0] =	vst v0  }
0x51: {  	s14 =	simm.s32 $0x40;
	s15 =	simm.s32 $0x0;
	[tilespmem:$0xB1D1] =	vst v0  }
.LBB2_24:
0x52: {  	p1 =	sne.s32 s14, $0x3FC0;
	[tilespmem:s15+$0xB1E8] =	vst v0;
	s15 =	smov.u32 s14;
	s14 =	sadd.s32 $0x40, s14  }
.Ltmp11:
0x53: {  	(pc) =	sbr.rel @p1 .LBB2_24-.Ltmp11, $2  }
0x54: {  	_ =	sdelay $0x2  }
0x55: {  	s15 =	sshra.s32 s15, $0x2  }
0x56: {  	[tilespmem:s15+$0xB1E8] =	vst v0  }
0x57: {  	s14 =	simm.s32 $0x40;
	s15 =	simm.s32 $0x0;
	[tilespmem:$0xC1D9] =	vst v0  }
.LBB2_26:
0x58: {  	p1 =	sne.s32 s14, $0x3FC0;
	[tilespmem:s15+$0xC1F0] =	vst v0;
	s15 =	smov.u32 s14;
	s14 =	sadd.s32 $0x40, s14  }
.Ltmp12:
0x59: {  	(pc) =	sbr.rel @p1 .LBB2_26-.Ltmp12, $2  }
0x5a: {  	_ =	sdelay $0x2  }
0x5b: {  	s15 =	sshra.s32 s15, $0x2  }
0x5c: {  	[tilespmem:s15+$0xC1F0] =	vst v0  }
0x5d: {  	s14 =	simm.s32 $0x40;
	s15 =	simm.s32 $0x0;
	[tilespmem:$0xD1E1] =	vst v0  }
.LBB2_28:
0x5e: {  	p1 =	sne.s32 s14, $0x3FC0;
	[tilespmem:s15+$0xD1F8] =	vst v0;
	s15 =	smov.u32 s14;
	s14 =	sadd.s32 $0x40, s14  }
.Ltmp13:
0x5f: {  	(pc) =	sbr.rel @p1 .LBB2_28-.Ltmp13, $2  }
0x60: {  	_ =	sdelay $0x2  }
0x61: {  	s15 =	sshra.s32 s15, $0x2  }
0x62: {  	[tilespmem:s15+$0xD1F8] =	vst v0  }
0x63: {  	s14 =	simm.s32 $0x40;
	s15 =	simm.s32 $0x0;
	[tilespmem:$0xE1E9] =	vst v0  }
.LBB2_30:
0x64: {  	p1 =	sne.s32 s14, $0x3FC0;
	[tilespmem:s15+$0xE200] =	vst v0;
	s15 =	smov.u32 s14;
	s14 =	sadd.s32 $0x40, s14  }
.Ltmp14:
0x65: {  	(pc) =	sbr.rel @p1 .LBB2_30-.Ltmp14, $2  }
0x66: {  	_ =	sdelay $0x2  }
0x67: {  	s15 =	sshra.s32 s15, $0x2  }
0x68: {  	[tilespmem:s15+$0xE200] =	vst v0  }
0x69: {  	s14 =	simm.s32 $0x40;
	s15 =	simm.s32 $0x0;
	[tilespmem:$0xF1F1] =	vst v0  }
.LBB2_32:
0x6a: {  	p1 =	sne.s32 s14, $0x3FC0;
	[tilespmem:s15+$0xF208] =	vst v0;
	s15 =	smov.u32 s14;
	s14 =	sadd.s32 $0x40, s14  }
.Ltmp15:
0x6b: {  	(pc) =	sbr.rel @p1 .LBB2_32-.Ltmp15, $2  }
0x6c: {  	_ =	sdelay $0x2  }
0x6d: {  	s15 =	sshra.s32 s15, $0x2  }
0x6e: {  	[tilespmem:s15+$0xF208] =	vst v0  }
0x6f: {  	s14 =	simm.s32 $0x0;
	[tilespmem:$0x101F9] =	vst v0  }
0x70: {  	[tilespmem:s14], [sflag:$0x1] =	stream.linear.gather [hbm4b:s3+s14], $0x80, $0x38;
	[tilespmem:$0x10210] =	vst v63  }
0x71: {  	_ =	swait.ge [sflag:s9], $0x80  }
0x72: {  	[sflag:s9] =	ssyncset.done $0x0  }
0x73: {  	[sflag:s9] =	ssyncadd.s32 $0xFFFFFF80  }
0x74: {  	[tilespmem:s10], [sflag:$0x1] =	stream.linear.gather [hbm4b:s4+s14], $0x80, $0x38;
	[tilespmem:$0x10210] =	vst v63  }
0x75: {  	_ =	swait.ge [sflag:s9], $0x80  }
0x76: {  	[sflag:s9] =	ssyncset.done $0x0  }
0x77: {  	[sflag:s9] =	ssyncadd.s32 $0xFFFFFF80  }
0x78: {  	v4 =	vld [tilespmem:$0x80]  }
0x79: {  	v5 =	vld [tilespmem:$0x0]  }
0x7a: {  	v6 =	vld [tilespmem:$0x10];
	_ =	sdelay $0x1  }
0x7b: {  	v7 =	vld [tilespmem:$0x90]  }
0x7c: {  	s31 =	sadd.s32 $0xFFFFFFF8, s8;
	v11 =	vld [tilespmem:$0x40]  }
0x7d: {  	v63 =	vmov s31;
	vm1 =	vle.f32 v4, $0.0e+00;
	v8 =	vxor.u32 $0x80000000, v5  }
0x7e: {  	vm2 =	vge.f32 v5, $0.0e+00;
	vm3 =	vlt.f32 v5, $0.0e+00;
	v57 =	vxor.u32 $0x80000000, v6  }
0x7f: {  	vm5 =	vge.f32 v6, $0.0e+00;
	vm1 =	vmneg vm1;
	vm4 =	vlt.f32 v4, v8;
	v4 =	vld [tilespmem:$0xA0]  }
0x80: {  	v9 =	vld [tilespmem:$0x20];
	vm2 =	vmand vm2, vm1;
	vm1 =	vmand vm3, vm1;
	v5 =	vsel vm4, $0x3727C5AC, v1  }
0x81: {  	v12 =	vxor.u32 $0x80000000, v11;
	v5 =	vnsel vm1, $0x0, v5;
	vm1 =	vle.f32 v7, $0.0e+00  }
0x82: {  	vm9 =	vlt.f32 v7, v57;
	vm3 =	vlt.f32 v6, $0.0e+00;
	v7 =	vld [tilespmem:$0x30];
	vm1 =	vmneg vm1  }
0x83: {  	v62 =	vld [tilespmem:$0x70];
	v6 =	vsel vm9, $0x3727C5AC, v1;
	v5 =	vsel vm2, $0x3F800000, v5;
	vm3 =	vmand vm3, vm1  }
0x84: {  	v58 =	vld [tilespmem:$0xB0];
	vm1 =	vmand vm5, vm1;
	v6 =	vnsel vm3, $0x0, v6;
	vm3 =	vle.f32 v4, $0.0e+00  }
0x85: {  	vm2 =	vge.f32 v9, $0.0e+00;
	v6 =	vsel vm1, $0x3F800000, v6;
	vm1 =	vmneg vm3  }
0x86: {  	vm3 =	vlt.f32 v9, $0.0e+00;
	v9 =	vxor.u32 $0x80000000, v9;
	vm2 =	vmand vm2, vm1  }
0x87: {  	vm1 =	vmand vm3, vm1;
	vm3 =	vlt.f32 v4, v9;
	v10 =	vxor.u32 $0x80000000, v7  }
0x88: {  	v4 =	vld [tilespmem:$0xC0];
	vm10 =	vlt.f32 v7, $0.0e+00;
	vm12 =	vge.f32 v7, $0.0e+00;
	[tilespmem:$0x110] =	vst v6;
	v6 =	vxor.u32 $0x80000000, v62  }
0x89: {  	v7 =	vld [tilespmem:$0x50];
	v9 =	vsel vm3, $0x3727C5AC, v1;
	vm3 =	vle.f32 v58, $0.0e+00;
	vm11 =	vlt.f32 v58, v10  }
0x8a: {  	vm3 =	vmneg vm3;
	v8 =	vsel vm11, $0x3727C5AC, v1;
	v9 =	vnsel vm1, $0x0, v9  }
0x8b: {  	v59 =	vld [tilespmem:$0xD0];
	vm4 =	vmand vm10, vm3;
	vm1 =	vmand vm12, vm3;
	v9 =	vsel vm2, $0x3F800000, v9  }
0x8c: {  	vm2 =	vge.f32 v11, $0.0e+00;
	vm3 =	vlt.f32 v11, $0.0e+00;
	v8 =	vnsel vm4, $0x0, v8  }
0x8d: {  	v13 =	vld [tilespmem:$0x60];
	v8 =	vsel vm1, $0x3F800000, v8;
	vm1 =	vle.f32 v4, $0.0e+00;
	vm13 =	vlt.f32 v4, v12  }
0x8e: {  	v4 =	vld [tilespmem:$0xE0];
	v61 =	vxor.u32 $0x80000000, v7;
	vm14 =	vlt.f32 v7, $0.0e+00;
	vm1 =	vmneg vm1  }
0x8f: {  	v60 =	vsel vm13, $0x3727C5AC, v1;
	vm2 =	vmand vm2, vm1;
	vm1 =	vmand vm3, vm1  }
0x90: {  	v14 =	vld [tilespmem:$0xF0];
	vm3 =	vlt.f32 v59, v61;
	v11 =	vnsel vm1, $0x0, v60;
	vm1 =	vle.f32 v59, $0.0e+00  }
0x91: {  	v10 =	vsel vm3, $0x3727C5AC, v1;
	vm3 =	vge.f32 v7, $0.0e+00;
	vm1 =	vmneg vm1  }
0x92: {  	v7 =	vxor.u32 $0x80000000, v13;
	vm4 =	vmand vm14, vm1;
	vm1 =	vmand vm3, vm1  }
0x93: {  	vm3 =	vlt.f32 v4, v7;
	vm15 =	vle.f32 v4, $0.0e+00;
	v4 =	vsel vm2, $0x3F800000, v11  }
0x94: {  	[tilespmem:$0x100] =	vst v5;
	vm2 =	vlt.f32 v13, $0.0e+00;
	v7 =	vnsel vm4, $0x0, v10;
	vm4 =	vmneg vm15  }
0x95: {  	v5 =	vsel vm3, $0x3727C5AC, v1;
	vm3 =	vlt.f32 v14, v6;
	[tilespmem:$0x140] =	vst v4;
	v4 =	vshrl.u32 v63, $0x3  }
0x96: {  	v7 =	vsel vm1, $0x3F800000, v7;
	vm1 =	vge.f32 v13, $0.0e+00;
	vm2 =	vmand vm2, vm4  }
0x97: {  	vm1 =	vmand vm1, vm4;
	v5 =	vnsel vm2, $0x0, v5;
	vm2 =	vle.f32 v14, $0.0e+00  }
0x98: {  	[tilespmem:$0x120] =	vst v9;
	v5 =	vsel vm1, $0x3F800000, v5;
	vm1 =	vmneg vm2;
	vm2 =	vlt.f32 v62, $0.0e+00  }
0x99: {  	[tilespmem:$0x130] =	vst v8;
	v6 =	vsel vm3, $0x3727C5AC, v1;
	vm3 =	vge.f32 v62, $0.0e+00;
	vm2 =	vmand vm2, vm1  }
0x9a: {  	v4 =	vshll.u32 v4, v2;
	[tilespmem:$0x150] =	vst v7;
	vm1 =	vmand vm3, vm1;
	v6 =	vnsel vm2, $0x0, v6  }
0x9b: {  	v4 =	vbroadcast v4, $0x0;
	[tilespmem:$0x160] =	vst v5;
	v5 =	vsel vm1, $0x3F800000, v6  }
0x9c: {  	s14 =	simm.s32 $0x108;
	[tilespmem:$0x170] =	vst v5  }
0x9d: {  	v4 =	vadd.s32 v3, v4;
	v5 =	vld [tilespmem:s14+$0xFFFFFFF8];
	_ =	sdelay $0x4  }
0x9e: {  	s16 =	sadd.s32 $0x0, s7;
	[tilespmem:v4+s11+$0x0] =	vst.idx.msk $0xff, v5  }
0x9f: {  	v5 =	vmov s8;
	[hbm4b:s16+s2] =	stream.linear.scatter [tilespmem:s11], [sflag:$0x1], $0x8040, $0x38;
	[tilespmem:$0x10210] =	vst v63  }
0xa0: {  	v5 =	vshrl.u32 v5, $0x3;
	_ =	swait.ge [sflag:s9], $0x8040  }
0xa1: {  	v5 =	vshll.u32 v5, v2;
	[sflag:s9] =	ssyncset.done $0x0  }
0xa2: {  	v5 =	vbroadcast v5, $0x0;
	[sflag:s9] =	ssyncadd.s32 $0xFFFF7FC0  }
0xa3: {  	[tilespmem:v4+s11+$0x0] =	vst.idx.msk $0xff, v0  }
0xa4: {  	v4 =	vadd.s32 v3, v5;
	v6 =	vld [tilespmem:s14+$0x0];
	_ =	sdelay $0x3  }
0xa5: {  	s15 =	sadd.s32 $0x10, s8  }
0xa6: {  	s17 =	sadd.s32 $0xFFFFFFF8, s15;
	s16 =	sadd.s32 $0x1008, s16;
	[tilespmem:v4+s12+$0x0] =	vst.idx.msk $0xff, v6  }
0xa7: {  	v5 =	vmov s17;
	[hbm4b:s16+s2] =	stream.linear.scatter [tilespmem:s12], [sflag:$0x1], $0x8040, $0x38;
	[tilespmem:$0x10210] =	vst v63  }
0xa8: {  	v5 =	vshrl.u32 v5, $0x3;
	_ =	swait.ge [sflag:s9], $0x8040  }
0xa9: {  	v5 =	vshll.u32 v5, v2;
	[sflag:s9] =	ssyncset.done $0x0  }
0xaa: {  	s17 =	simm.s32 $0x4020;
	v5 =	vbroadcast v5, $0x0;
	s16 =	simm.s32 $0x2010;
	[sflag:s9] =	ssyncadd.s32 $0xFFFF7FC0  }
.LBB2_34:
0xab: {  	p1 =	sne.s32 s17, $0xE070  }
0xac: {  	[tilespmem:v4+s12+$0x0] =	vst.idx.msk $0xff, v0;
	s14 =	sadd.s32 $0x10, s14;
	s18 =	smov.u32 s17;
	s17 =	sadd.s32 $0x2010, s17  }
0xad: {  	v4 =	vld [tilespmem:s14+$0xFFFFFFF8];
	v5 =	vadd.s32 v3, v5;
	_ =	sdelay $0x4  }
0xae: {  	s19 =	sadd.s32 s16, s7;
	s16 =	smov.u32 s18;
	[tilespmem:v5+s11+$0x0] =	vst.idx.msk $0xff, v4  }
0xaf: {  	v4 =	vmov s15;
	[hbm4b:s19+s2] =	stream.linear.scatter [tilespmem:s11], [sflag:$0x1], $0x8040, $0x38;
	[tilespmem:$0x10210] =	vst v63  }
0xb0: {  	v4 =	vshrl.u32 v4, $0x3;
	_ =	swait.ge [sflag:s9], $0x8040  }
0xb1: {  	v4 =	vshll.u32 v4, v2;
	[sflag:s9] =	ssyncset.done $0x0  }
0xb2: {  	v4 =	vbroadcast v4, $0x0;
	[sflag:s9] =	ssyncadd.s32 $0xFFFF7FC0  }
0xb3: {  	[tilespmem:v5+s11+$0x0] =	vst.idx.msk $0xff, v0  }
0xb4: {  	v4 =	vadd.s32 v3, v4;
	v5 =	vld [tilespmem:s14+$0x0];
	_ =	sdelay $0x3  }
0xb5: {  	s15 =	sadd.s32 $0x10, s15  }
.Ltmp16:
0xb6: {  	s18 =	sadd.s32 $0xFFFFFFF8, s15;
	s19 =	sadd.s32 $0x1008, s19;
	[tilespmem:v4+s12+$0x0] =	vst.idx.msk $0xff, v5;
	(pc) =	sbr.rel @p1 .LBB2_34-.Ltmp16, $4  }
0xb7: {  	v5 =	vmov s18;
	[hbm4b:s19+s2] =	stream.linear.scatter [tilespmem:s12], [sflag:$0x1], $0x8040, $0x38;
	[tilespmem:$0x10210] =	vst v63  }
0xb8: {  	v5 =	vshrl.u32 v5, $0x3;
	_ =	swait.ge [sflag:s9], $0x8040  }
0xb9: {  	v5 =	vshll.u32 v5, v2;
	[sflag:s9] =	ssyncset.done $0x0  }
0xba: {  	v5 =	vbroadcast v5, $0x0;
	[sflag:s9] =	ssyncadd.s32 $0xFFFF7FC0  }
0xbb: {  	_ =	sdelay $0x3  }
0xbc: {  	[tilespmem:v4+s12+$0x0] =	vst.idx.msk $0xff, v0;
	s14 =	sadd.s32 $0x10, s14  }
0xbd: {  	v4 =	vld [tilespmem:s14+$0xFFFFFFF8];
	v5 =	vadd.s32 v3, v5;
	_ =	sdelay $0x4  }
0xbe: {  	s16 =	sadd.s32 s16, s7;
	[tilespmem:v5+s11+$0x0] =	vst.idx.msk $0xff, v4  }
0xbf: {  	v4 =	vmov s15;
	[hbm4b:s16+s2] =	stream.linear.scatter [tilespmem:s11], [sflag:$0x1], $0x8040, $0x38;
	[tilespmem:$0x10210] =	vst v63  }
0xc0: {  	v4 =	vshrl.u32 v4, $0x3;
	_ =	swait.ge [sflag:s9], $0x8040  }
0xc1: {  	v4 =	vshll.u32 v4, v2;
	[sflag:s9] =	ssyncset.done $0x0  }
0xc2: {  	v4 =	vbroadcast v4, $0x0;
	[sflag:s9] =	ssyncadd.s32 $0xFFFF7FC0  }
0xc3: {  	[tilespmem:v5+s11+$0x0] =	vst.idx.msk $0xff, v0  }
0xc4: {  	v4 =	vadd.s32 v3, v4;
	v5 =	vld [tilespmem:s14+$0x0];
	_ =	sdelay $0x4  }
0xc5: {  	s31 =	sadd.s32 $0x1008, s16;
	[tilespmem:v4+s12+$0x0] =	vst.idx.msk $0xff, v5  }
0xc6: {  	[hbm4b:s31+s2] =	stream.linear.scatter [tilespmem:s12], [sflag:$0x1], $0x8040, $0x38;
	[tilespmem:$0x10210] =	vst v63  }
0xc7: {  	_ =	swait.ge [sflag:s9], $0x8040  }
0xc8: {  	[sflag:s9] =	ssyncset.done $0x0  }
0xc9: {  	v5 =	vimm.f32 @!p0 $1.000000000e+00;
	[sflag:s9] =	ssyncadd.s32 $0xFFFF7FC0  }
0xca: {  	s13 =	sadd.s32 $0x1, s13;
	[tilespmem:v4+s12+$0x0] =	vst.idx.msk $0xff, v0;
	v4 =	vsel @!p0 vm0, $0x0, v5  }
0xcb: {  	p1 =	sne.s32 s13, s6;
	s15 =	simm.s32 @!p0 $0x190;
	s14 =	simm.s32 @!p0 $0x0;
	[tilespmem:$0x1181] =	vst @!p0 v4  }
0xcc: {  	[hbm4b:s5+s14] =	stream.linear.scatter @!p0 [tilespmem:s15], [sflag:$0x1], $0x1008, $0x38;
	[tilespmem:$0x10210] =	vst v63  }
.Ltmp17:
0xcd: {  	_ = 	snop;
	(pc) =	sbr.rel @p1 .LBB2_1-.Ltmp17, $4  }
0xce: {  	s14 =	simm.s32 @!p0 $0x1  }
0xcf: {  	_ =	swait.ge @!p0 [sflag:s14], $0x1008  }
0xd0: {  	[sflag:s14] =	ssyncset.done @!p0 $0x0  }
0xd1: {  	[sflag:s14] =	ssyncadd.s32 @!p0 $0xFFFFEFF8  }
0xd2: {  	_ =	sfence.sel $0x180000  }
0xd3: {  	[bflag:$0x0] =	sbarrier.arrive $0xFFFF  }
0xd4: {  	p0 =	sne.s32 s1, $0x0;
	_ =	strace $0x90000047  }
0xd5: {  	s0 =	sadd.s32 @!p0 $0x100000, s0;
	[bflag:$0x2] =	sbarrier.arrive $0xFFFF  }
0xd6: {  	[sflag:s0] =	ssyncadd.tile.s32 @!p0 $0x1;
	_ =	shalt  }
.Lfunc_end2:
_tile_overlayer_lowered:
.L_overlay_start_2:
0xd7: {  	(tag) =	ssettag $0x2  }
0xd8: {  	s0 =	rddreg [dreg:$0x0];
	s2 =	stileid.u32  }
0xd9: {  	s1 =	rddreg [dreg:$0x1];
	p0 =	sne.s32 s2, $0x0  }
0xda: {  	s3 =	rddreg [dreg:$0x2];
	[bflag:$0x3] =	sbarrier.arrive $0xFFFF;
	s2 =	simm.s32 @!p0 $0x1C01  }
0xdb: {  	[timem:s3], [sflag:s2] =	dma.local @!p0 [hbm:s0], s1  }
0xdc: {  	s0 =	simm.s32 @!p0 $0x1  }
0xdd: {  	_ =	swait.ge @!p0 [sflag:s0], s1  }
0xde: {  	s1 =	ssub.s32 @!p0 $0x0, s1;
	[sflag:s0] =	ssyncset.done @!p0 $0x0  }
0xdf: {  	[sflag:s0] =	ssyncadd.s32 @!p0 s1  }
0xe0: {  	[bflag:$0x3] =	sbarrier.arrive $0xFFFF  }
0xe1: {  	_ =	shalt  }

</sc_bundles>
